<compile_context>
chip_gen: v7x
topology: tpu7x:2x2x1
jax: 0.10.2.dev20260603
libtpu: 0.0.44.dev20260713+nightly
codegen_flags: <defaults>
</compile_context>

<pallas_src>
import functools

import numpy as np
import jax
import jax.numpy as jnp
from jax import lax
from jax.experimental import pallas as pl
from jax.experimental.pallas import tpu as pltpu
from jax.experimental.pallas import tpu_sc as plsc

_VOCAB = 1000000
_EMBED = 64
_BATCH = 4096
_SEQLEN = 200

_NC = 2
_NS = 16
_NW = _NC * _NS
_BBLK = _BATCH // _NW
_LANE = 16
_NBG = _BBLK // _LANE
_TI = _EMBED // 8
_KG = _EMBED // _LANE


def _pe_rows():
    pos = np.arange(_SEQLEN, dtype=np.float32)[:, None]
    div = np.exp(
        np.arange(0, _EMBED, 2, dtype=np.float32) * (-np.log(10000.0) / _EMBED)
    )
    pe = np.zeros((_SEQLEN, _EMBED), dtype=np.float32)
    pe[:, 0::2] = np.sin(pos * div)
    pe[:, 1::2] = np.cos(pos * div)
    return jnp.asarray(pe)


def _make_kernel():
    mesh = plsc.VectorSubcoreMesh(core_axis_name="c", subcore_axis_name="s")

    @functools.partial(
        pl.kernel,
        mesh=mesh,
        out_type=jax.ShapeDtypeStruct((_SEQLEN, _TI, _NW, 8, 128), jnp.float32),
        compiler_params=pltpu.CompilerParams(use_tc_tiling_on_sc=False,
                                             needs_layout_passes=False),
        scratch_types=(
            [pltpu.VMEM((_SEQLEN, _BBLK), jnp.int32)]
            + [pltpu.VMEM((_BBLK, _EMBED), jnp.float32)] * 4
            + [pltpu.VMEM((_EMBED,), jnp.float32)] * 4
            + [pltpu.VMEM((_TI, 8, 129), jnp.float32)] * 4
            + [pltpu.SemaphoreType.DMA] * 12
        ),
    )
    def emb_kernel(xT, pet_h, tblp, out5, xblk,
                   rows_0, rows_1, rows_2, rows_3,
                   pet_v0, pet_v1, pet_v2, pet_v3,
                   outt0, outt1, outt2, outt3,
                   gsem0, gsem1, gsem2, gsem3,
                   psem0, psem1, psem2, psem3,
                   osem0, osem1, osem2, osem3):
        wid = lax.axis_index("s") * _NC + lax.axis_index("c")
        b0 = wid * _BBLK

        rows = [rows_0, rows_1, rows_2, rows_3]
        pet_v = [pet_v0, pet_v1, pet_v2, pet_v3]
        outt = [outt0, outt1, outt2, outt3]
        gsem = [gsem0, gsem1, gsem2, gsem3]
        psem = [psem0, psem1, psem2, psem3]
        osem = [osem0, osem1, osem2, osem3]

        pltpu.sync_copy(xT.at[:, pl.ds(b0, _BBLK)], xblk)

        iota = lax.iota(jnp.int32, _LANE)

        def start_gather(l, buf):
            return pltpu.async_copy(tblp.at[xblk.at[l]], rows[buf], gsem[buf])

        def start_pet(l, buf):
            return pltpu.async_copy(pet_h.at[l], pet_v[buf], psem[buf])

        def wait_gather(buf):
            pltpu.make_async_copy(tblp.at[xblk.at[0]], rows[buf],
                                  gsem[buf]).wait()

        def wait_pet(buf):
            pltpu.make_async_copy(pet_h.at[0], pet_v[buf], psem[buf]).wait()

        def start_out(l, buf):
            return pltpu.async_copy(outt[buf].at[:, :, pl.ds(0, 128)],
                                    out5.at[l, :, wid], osem[buf])

        def wait_out(buf):
            pltpu.make_async_copy(outt[buf].at[:, :, pl.ds(0, 128)],
                                  out5.at[0, :, wid], osem[buf]).wait()

        tis = [(iota + k * _LANE) // 8 for k in range(_KG)]
        rvs = [lax.rem(iota + k * _LANE, 8) for k in range(_KG)]

        def compute(l, buf):
            pes = [pet_v[buf][pl.ds(k * _LANE, _LANE)] for k in range(_KG)]

            @plsc.parallel_loop(0, _BBLK, step=1, unroll=4)
            def j_body(j):
                jc = iota * 0 + j
                for k in range(_KG):
                    val = rows[buf][j, pl.ds(k * _LANE, _LANE)] + pes[k]
                    plsc.store_scatter(outt[buf], [tis[k], rvs[k], jc], val)

        for l0 in range(3):
            start_gather(l0, l0)
            start_pet(l0, l0)

        def outer(l2, carry):
            for b in range(4):
                l = l2 * 4 + b
                pfb = (b + 3) % 4

                def prefetch():
                    start_gather(l + 3, pfb)
                    start_pet(l + 3, pfb)
                if b == 0:
                    prefetch()
                else:
                    @pl.when(l2 < (_SEQLEN // 4) - 1)
                    def _():
                        prefetch()

                wait_gather(b)
                wait_pet(b)

                @pl.when(l2 > 0)
                def _():
                    wait_out(b)

                compute(l, b)
                start_out(l, b)
            return carry

        lax.fori_loop(0, _SEQLEN // 4, outer, 0)
        for b in range(4):
            wait_out(b)

    return emb_kernel


_EMB_KERNEL = _make_kernel()

_TBLK = 16384


def _tp_body(t_ref, o_ref):
    o_ref[:, : _EMBED] = t_ref[...].T


def _pad_table(tT):
    n = (_VOCAB + _TBLK - 1) // _TBLK
    return pl.pallas_call(
        _tp_body,
        grid=(n,),
        in_specs=[pl.BlockSpec((_EMBED, _TBLK), lambda i: (0, i))],
        out_specs=pl.BlockSpec((_TBLK, 128), lambda i: (i, 0)),
        out_shape=jax.ShapeDtypeStruct((_VOCAB, 128), jnp.float32),
    )(tT)


def kernel(x, table):
    xT2 = x.T * 2
    tblp = _pad_table(table.T)
    tblh = tblp.reshape(2 * _VOCAB, _EMBED)
    out5 = _EMB_KERNEL(xT2, _pe_rows(), tblh)
    return out5.transpose(2, 4, 0, 1, 3).reshape(_BATCH, _SEQLEN, _EMBED)

# --- scband reference (transcript-rebuilt; emitter-appended) ---
"""Pipeline reference for scband-token-embedding-49770081026539 (READ-ONLY COPY).

The authoritative reference and input builder live on the scoring server;
editing this copy changes nothing except your own understanding.
"""

import jax, jax.numpy as jnp
import numpy as np

VOCAB = 1000000
EMBED = 64
BATCH = 4096
SEQLEN = 200
MAX_LEN = 5000


def _positional_encoding(max_len, d_model):
    pos = np.arange(max_len, dtype=np.float32)[:, None]
    div = np.exp(np.arange(0, d_model, 2, dtype=np.float32) * (-np.log(10000.0) / d_model))
    pe = np.zeros((max_len, d_model), dtype=np.float32)
    pe[:, 0::2] = np.sin(pos * div)
    pe[:, 1::2] = np.cos(pos * div)
    return jnp.asarray(pe)


def setup_inputs(seed: int = 0) -> dict:
    key = jax.random.key(seed)
    k1, k2 = jax.random.split(key)
    x = jax.random.randint(k1, (BATCH, SEQLEN), 0, VOCAB, dtype=jnp.int64 if jax.config.jax_enable_x64 else jnp.int32).astype(jnp.int32)
    table = jax.random.normal(k2, (VOCAB, EMBED), dtype=jnp.float32)
    return {"x": x, "table": table}


def reference(x, table):
    # embedding lookup (SparseCore gather)
    emb = jnp.take(table, x, axis=0)  # [B, L, D]
    # dropout: inference mode -> identity
    pe = _positional_encoding(MAX_LEN, EMBED)
    out = emb + pe[None, : emb.shape[1], :]
    return out

if __name__ == "__main__":
    import jax
    _d = setup_inputs()
    print(jax.jit(kernel)(*tuple(_d.values())))

</pallas_src>

<mosaic_0001>
#map = affine_map<(d0, d1) -> (0, 0)>
#map1 = affine_map<(d0, d1) -> (0, 0, 0, 0, 0)>
module attributes {stable_mosaic.version = 14 : i64} {
  func.func @emb_kernel(%arg0: i32, %arg1: i32, %arg2: memref<200x4096xi32, #tpu.memory_space<hbm>>, %arg3: memref<200x64xf32, #tpu.memory_space<hbm>>, %arg4: memref<2000000x64xf32, #tpu.memory_space<hbm>>, %arg5: memref<200x8x32x8x128xf32, #tpu.memory_space<hbm>>, %arg6: memref<200x128xi32, #tpu.memory_space<vmem>>, %arg7: memref<128x64xf32, #tpu.memory_space<vmem>>, %arg8: memref<128x64xf32, #tpu.memory_space<vmem>>, %arg9: memref<128x64xf32, #tpu.memory_space<vmem>>, %arg10: memref<128x64xf32, #tpu.memory_space<vmem>>, %arg11: memref<64xf32, #tpu.memory_space<vmem>>, %arg12: memref<64xf32, #tpu.memory_space<vmem>>, %arg13: memref<64xf32, #tpu.memory_space<vmem>>, %arg14: memref<64xf32, #tpu.memory_space<vmem>>, %arg15: memref<8x8x129xf32, #tpu.memory_space<vmem>>, %arg16: memref<8x8x129xf32, #tpu.memory_space<vmem>>, %arg17: memref<8x8x129xf32, #tpu.memory_space<vmem>>, %arg18: memref<8x8x129xf32, #tpu.memory_space<vmem>>, %arg19: memref<!tpu.dma_semaphore, #tpu.memory_space<semaphore_mem>>, %arg20: memref<!tpu.dma_semaphore, #tpu.memory_space<semaphore_mem>>, %arg21: memref<!tpu.dma_semaphore, #tpu.memory_space<semaphore_mem>>, %arg22: memref<!tpu.dma_semaphore, #tpu.memory_space<semaphore_mem>>, %arg23: memref<!tpu.dma_semaphore, #tpu.memory_space<semaphore_mem>>, %arg24: memref<!tpu.dma_semaphore, #tpu.memory_space<semaphore_mem>>, %arg25: memref<!tpu.dma_semaphore, #tpu.memory_space<semaphore_mem>>, %arg26: memref<!tpu.dma_semaphore, #tpu.memory_space<semaphore_mem>>, %arg27: memref<!tpu.dma_semaphore, #tpu.memory_space<semaphore_mem>>, %arg28: memref<!tpu.dma_semaphore, #tpu.memory_space<semaphore_mem>>, %arg29: memref<!tpu.dma_semaphore, #tpu.memory_space<semaphore_mem>>, %arg30: memref<!tpu.dma_semaphore, #tpu.memory_space<semaphore_mem>>) attributes {dimension_semantics = [#tpu.dimension_semantics<core_parallel>, #tpu.dimension_semantics<subcore_parallel>], iteration_bounds = array<i64: 2, 16>, scalar_prefetch = 0 : i64, scratch_operands = 25 : i64, tpu.core_type = #tpu.core_type<sc_vector_subcore>, window_params = [{transform_indices = #map}, {transform_indices = #map}, {transform_indices = #map}, {transform_indices = #map1}]} {
    %mul3A = arith.constant 2 : i32
    %mul3A_0 = arith.muli %arg1, %mul3A : i32
    %add3A = arith.addi %mul3A_0, %arg0 : i32
    %mul3A_1 = arith.constant 128 : i32
    %mul3A_2 = arith.muli %add3A, %mul3A_1 : i32
    "tpu.region"() ({
      %run_scoped3A = tpu.sem_alloc : memref<!tpu.dma_semaphore, #tpu.memory_space<semaphore_mem>>
      %dma_start3A_276 = arith.constant 0 : i32
      %dma_start3A_277 = tpu.memref_slice %arg2[%dma_start3A_276, %mul3A_2] : memref<200x4096xi32, #tpu.memory_space<hbm>> -> memref<200x128xi32, #tpu.memory_space<hbm>>
      %dma_start3A_278 = arith.constant 0 : i32
      %dma_start3A_279 = tpu.memref_slice %arg2[%dma_start3A_278, %mul3A_2] : memref<200x4096xi32, #tpu.memory_space<hbm>> -> memref<200x128xi32, #tpu.memory_space<hbm>>
      tpu.enqueue_dma source(%dma_start3A_279 : memref<200x128xi32, #tpu.memory_space<hbm>>) target(%arg6 : memref<200x128xi32, #tpu.memory_space<vmem>>) target_semaphore(%run_scoped3A : memref<!tpu.dma_semaphore, #tpu.memory_space<semaphore_mem>>)
      %dma_wait3A_280 = arith.constant 0 : i32
      %dma_wait3A_281 = tpu.memref_slice %arg2[%dma_wait3A_280, %mul3A_2] : memref<200x4096xi32, #tpu.memory_space<hbm>> -> memref<200x128xi32, #tpu.memory_space<hbm>>
      %dma_wait3A_282 = arith.constant 0 : i32
      %dma_wait3A_283 = tpu.memref_slice %arg2[%dma_wait3A_282, %mul3A_2] : memref<200x4096xi32, #tpu.memory_space<hbm>> -> memref<200x128xi32, #tpu.memory_space<hbm>>
      tpu.wait_dma2 semaphore(%run_scoped3A : memref<!tpu.dma_semaphore, #tpu.memory_space<semaphore_mem>>) src(%dma_wait3A_283 : memref<200x128xi32, #tpu.memory_space<hbm>>) dst(%arg6 : memref<200x128xi32, #tpu.memory_space<vmem>>)
      tpu.yield
    }) : () -> ()
    %iota3A = tpu.iota {dimensions = array<i32: 0>} : vector<16xi32>
    %add3A_3 = arith.constant 0 : i32
    %add3A_4 = vector.broadcast %add3A_3 : i32 to vector<16xi32>
    %add3A_5 = arith.addi %iota3A, %add3A_4 : vector<16xi32>
    %jit3A = arith.constant 8 : i32
    %div3A = vector.broadcast %jit3A : i32 to vector<16xi32>
    %div3A_6 = arith.divsi %add3A_5, %div3A : vector<16xi32>
    %sign3A = arith.constant 0 : i32
    %sign3A_7 = vector.broadcast %sign3A : i32 to vector<16xi32>
    %sign3A_8 = arith.cmpi sgt, %add3A_5, %sign3A_7 : vector<16xi32>
    %sign3A_9 = arith.extui %sign3A_8 : vector<16xi1> to vector<16xi32>
    %sign3A_10 = arith.constant 0 : i32
    %sign3A_11 = vector.broadcast %sign3A_10 : i32 to vector<16xi32>
    %sign3A_12 = arith.cmpi slt, %add3A_5, %sign3A_11 : vector<16xi32>
    %sign3A_13 = arith.extui %sign3A_12 : vector<16xi1> to vector<16xi32>
    %sign3A_14 = arith.subi %sign3A_9, %sign3A_13 : vector<16xi32>
    %sign3A_15 = arith.constant 0 : i32
    %sign3A_16 = arith.cmpi sgt, %jit3A, %sign3A_15 : i32
    %sign3A_17 = arith.extui %sign3A_16 : i1 to i32
    %sign3A_18 = arith.constant 0 : i32
    %sign3A_19 = arith.cmpi slt, %jit3A, %sign3A_18 : i32
    %sign3A_20 = arith.extui %sign3A_19 : i1 to i32
    %sign3A_21 = arith.subi %sign3A_17, %sign3A_20 : i32
    %ne3A = vector.broadcast %sign3A_21 : i32 to vector<16xi32>
    %ne3A_22 = arith.cmpi ne, %sign3A_14, %ne3A : vector<16xi32>
    %rem3A = vector.broadcast %jit3A : i32 to vector<16xi32>
    %rem3A_23 = arith.remsi %add3A_5, %rem3A : vector<16xi32>
    %ne3A_24 = arith.constant 0 : i32
    %ne3A_25 = vector.broadcast %ne3A_24 : i32 to vector<16xi32>
    %ne3A_26 = arith.cmpi ne, %rem3A_23, %ne3A_25 : vector<16xi32>
    %and3A = arith.andi %ne3A_22, %ne3A_26 : vector<16xi1>
    %sub3A = arith.constant 1 : i32
    %sub3A_27 = vector.broadcast %sub3A : i32 to vector<16xi32>
    %sub3A_28 = arith.subi %div3A_6, %sub3A_27 : vector<16xi32>
    %select_n3A = arith.select %and3A, %sub3A_28, %div3A_6 : vector<16xi1>, vector<16xi32>
    %add3A_29 = arith.constant 16 : i32
    %add3A_30 = vector.broadcast %add3A_29 : i32 to vector<16xi32>
    %add3A_31 = arith.addi %iota3A, %add3A_30 : vector<16xi32>
    %jit3A_32 = arith.constant 8 : i32
    %div3A_33 = vector.broadcast %jit3A_32 : i32 to vector<16xi32>
    %div3A_34 = arith.divsi %add3A_31, %div3A_33 : vector<16xi32>
    %sign3A_35 = arith.constant 0 : i32
    %sign3A_36 = vector.broadcast %sign3A_35 : i32 to vector<16xi32>
    %sign3A_37 = arith.cmpi sgt, %add3A_31, %sign3A_36 : vector<16xi32>
    %sign3A_38 = arith.extui %sign3A_37 : vector<16xi1> to vector<16xi32>
    %sign3A_39 = arith.constant 0 : i32
    %sign3A_40 = vector.broadcast %sign3A_39 : i32 to vector<16xi32>
    %sign3A_41 = arith.cmpi slt, %add3A_31, %sign3A_40 : vector<16xi32>
    %sign3A_42 = arith.extui %sign3A_41 : vector<16xi1> to vector<16xi32>
    %sign3A_43 = arith.subi %sign3A_38, %sign3A_42 : vector<16xi32>
    %sign3A_44 = arith.constant 0 : i32
    %sign3A_45 = arith.cmpi sgt, %jit3A_32, %sign3A_44 : i32
    %sign3A_46 = arith.extui %sign3A_45 : i1 to i32
    %sign3A_47 = arith.constant 0 : i32
    %sign3A_48 = arith.cmpi slt, %jit3A_32, %sign3A_47 : i32
    %sign3A_49 = arith.extui %sign3A_48 : i1 to i32
    %sign3A_50 = arith.subi %sign3A_46, %sign3A_49 : i32
    %ne3A_51 = vector.broadcast %sign3A_50 : i32 to vector<16xi32>
    %ne3A_52 = arith.cmpi ne, %sign3A_43, %ne3A_51 : vector<16xi32>
    %rem3A_53 = vector.broadcast %jit3A_32 : i32 to vector<16xi32>
    %rem3A_54 = arith.remsi %add3A_31, %rem3A_53 : vector<16xi32>
    %ne3A_55 = arith.constant 0 : i32
    %ne3A_56 = vector.broadcast %ne3A_55 : i32 to vector<16xi32>
    %ne3A_57 = arith.cmpi ne, %rem3A_54, %ne3A_56 : vector<16xi32>
    %and3A_58 = arith.andi %ne3A_52, %ne3A_57 : vector<16xi1>
    %sub3A_59 = arith.constant 1 : i32
    %sub3A_60 = vector.broadcast %sub3A_59 : i32 to vector<16xi32>
    %sub3A_61 = arith.subi %div3A_34, %sub3A_60 : vector<16xi32>
    %select_n3A_62 = arith.select %and3A_58, %sub3A_61, %div3A_34 : vector<16xi1>, vector<16xi32>
    %add3A_63 = arith.constant 32 : i32
    %add3A_64 = vector.broadcast %add3A_63 : i32 to vector<16xi32>
    %add3A_65 = arith.addi %iota3A, %add3A_64 : vector<16xi32>
    %jit3A_66 = arith.constant 8 : i32
    %div3A_67 = vector.broadcast %jit3A_66 : i32 to vector<16xi32>
    %div3A_68 = arith.divsi %add3A_65, %div3A_67 : vector<16xi32>
    %sign3A_69 = arith.constant 0 : i32
    %sign3A_70 = vector.broadcast %sign3A_69 : i32 to vector<16xi32>
    %sign3A_71 = arith.cmpi sgt, %add3A_65, %sign3A_70 : vector<16xi32>
    %sign3A_72 = arith.extui %sign3A_71 : vector<16xi1> to vector<16xi32>
    %sign3A_73 = arith.constant 0 : i32
    %sign3A_74 = vector.broadcast %sign3A_73 : i32 to vector<16xi32>
    %sign3A_75 = arith.cmpi slt, %add3A_65, %sign3A_74 : vector<16xi32>
    %sign3A_76 = arith.extui %sign3A_75 : vector<16xi1> to vector<16xi32>
    %sign3A_77 = arith.subi %sign3A_72, %sign3A_76 : vector<16xi32>
    %sign3A_78 = arith.constant 0 : i32
    %sign3A_79 = arith.cmpi sgt, %jit3A_66, %sign3A_78 : i32
    %sign3A_80 = arith.extui %sign3A_79 : i1 to i32
    %sign3A_81 = arith.constant 0 : i32
    %sign3A_82 = arith.cmpi slt, %jit3A_66, %sign3A_81 : i32
    %sign3A_83 = arith.extui %sign3A_82 : i1 to i32
    %sign3A_84 = arith.subi %sign3A_80, %sign3A_83 : i32
    %ne3A_85 = vector.broadcast %sign3A_84 : i32 to vector<16xi32>
    %ne3A_86 = arith.cmpi ne, %sign3A_77, %ne3A_85 : vector<16xi32>
    %rem3A_87 = vector.broadcast %jit3A_66 : i32 to vector<16xi32>
    %rem3A_88 = arith.remsi %add3A_65, %rem3A_87 : vector<16xi32>
    %ne3A_89 = arith.constant 0 : i32
    %ne3A_90 = vector.broadcast %ne3A_89 : i32 to vector<16xi32>
    %ne3A_91 = arith.cmpi ne, %rem3A_88, %ne3A_90 : vector<16xi32>
    %and3A_92 = arith.andi %ne3A_86, %ne3A_91 : vector<16xi1>
    %sub3A_93 = arith.constant 1 : i32
    %sub3A_94 = vector.broadcast %sub3A_93 : i32 to vector<16xi32>
    %sub3A_95 = arith.subi %div3A_68, %sub3A_94 : vector<16xi32>
    %select_n3A_96 = arith.select %and3A_92, %sub3A_95, %div3A_68 : vector<16xi1>, vector<16xi32>
    %add3A_97 = arith.constant 48 : i32
    %add3A_98 = vector.broadcast %add3A_97 : i32 to vector<16xi32>
    %add3A_99 = arith.addi %iota3A, %add3A_98 : vector<16xi32>
    %jit3A_100 = arith.constant 8 : i32
    %div3A_101 = vector.broadcast %jit3A_100 : i32 to vector<16xi32>
    %div3A_102 = arith.divsi %add3A_99, %div3A_101 : vector<16xi32>
    %sign3A_103 = arith.constant 0 : i32
    %sign3A_104 = vector.broadcast %sign3A_103 : i32 to vector<16xi32>
    %sign3A_105 = arith.cmpi sgt, %add3A_99, %sign3A_104 : vector<16xi32>
    %sign3A_106 = arith.extui %sign3A_105 : vector<16xi1> to vector<16xi32>
    %sign3A_107 = arith.constant 0 : i32
    %sign3A_108 = vector.broadcast %sign3A_107 : i32 to vector<16xi32>
    %sign3A_109 = arith.cmpi slt, %add3A_99, %sign3A_108 : vector<16xi32>
    %sign3A_110 = arith.extui %sign3A_109 : vector<16xi1> to vector<16xi32>
    %sign3A_111 = arith.subi %sign3A_106, %sign3A_110 : vector<16xi32>
    %sign3A_112 = arith.constant 0 : i32
    %sign3A_113 = arith.cmpi sgt, %jit3A_100, %sign3A_112 : i32
    %sign3A_114 = arith.extui %sign3A_113 : i1 to i32
    %sign3A_115 = arith.constant 0 : i32
    %sign3A_116 = arith.cmpi slt, %jit3A_100, %sign3A_115 : i32
    %sign3A_117 = arith.extui %sign3A_116 : i1 to i32
    %sign3A_118 = arith.subi %sign3A_114, %sign3A_117 : i32
    %ne3A_119 = vector.broadcast %sign3A_118 : i32 to vector<16xi32>
    %ne3A_120 = arith.cmpi ne, %sign3A_111, %ne3A_119 : vector<16xi32>
    %rem3A_121 = vector.broadcast %jit3A_100 : i32 to vector<16xi32>
    %rem3A_122 = arith.remsi %add3A_99, %rem3A_121 : vector<16xi32>
    %ne3A_123 = arith.constant 0 : i32
    %ne3A_124 = vector.broadcast %ne3A_123 : i32 to vector<16xi32>
    %ne3A_125 = arith.cmpi ne, %rem3A_122, %ne3A_124 : vector<16xi32>
    %and3A_126 = arith.andi %ne3A_120, %ne3A_125 : vector<16xi1>
    %sub3A_127 = arith.constant 1 : i32
    %sub3A_128 = vector.broadcast %sub3A_127 : i32 to vector<16xi32>
    %sub3A_129 = arith.subi %div3A_102, %sub3A_128 : vector<16xi32>
    %select_n3A_130 = arith.select %and3A_126, %sub3A_129, %div3A_102 : vector<16xi1>, vector<16xi32>
    %add3A_131 = arith.constant 0 : i32
    %add3A_132 = vector.broadcast %add3A_131 : i32 to vector<16xi32>
    %add3A_133 = arith.addi %iota3A, %add3A_132 : vector<16xi32>
    %rem3A_134 = arith.constant 8 : i32
    %rem3A_135 = vector.broadcast %rem3A_134 : i32 to vector<16xi32>
    %rem3A_136 = arith.remsi %add3A_133, %rem3A_135 : vector<16xi32>
    %add3A_137 = arith.constant 16 : i32
    %add3A_138 = vector.broadcast %add3A_137 : i32 to vector<16xi32>
    %add3A_139 = arith.addi %iota3A, %add3A_138 : vector<16xi32>
    %rem3A_140 = arith.constant 8 : i32
    %rem3A_141 = vector.broadcast %rem3A_140 : i32 to vector<16xi32>
    %rem3A_142 = arith.remsi %add3A_139, %rem3A_141 : vector<16xi32>
    %add3A_143 = arith.constant 32 : i32
    %add3A_144 = vector.broadcast %add3A_143 : i32 to vector<16xi32>
    %add3A_145 = arith.addi %iota3A, %add3A_144 : vector<16xi32>
    %rem3A_146 = arith.constant 8 : i32
    %rem3A_147 = vector.broadcast %rem3A_146 : i32 to vector<16xi32>
    %rem3A_148 = arith.remsi %add3A_145, %rem3A_147 : vector<16xi32>
    %add3A_149 = arith.constant 48 : i32
    %add3A_150 = vector.broadcast %add3A_149 : i32 to vector<16xi32>
    %add3A_151 = arith.addi %iota3A, %add3A_150 : vector<16xi32>
    %rem3A_152 = arith.constant 8 : i32
    %rem3A_153 = vector.broadcast %rem3A_152 : i32 to vector<16xi32>
    %rem3A_154 = arith.remsi %add3A_151, %rem3A_153 : vector<16xi32>
    %dma_start3A = arith.constant 0 : i32
    %dma_start3A_155 = arith.constant 0 : i32
    %dma_start3A_156 = tpu.memref_slice %arg6[%dma_start3A, %dma_start3A_155] : memref<200x128xi32, #tpu.memory_space<vmem>> -> memref<1x128xi32, #tpu.memory_space<vmem>>
    %dma_start3A_157 = tpu.memref_squeeze %dma_start3A_156 : memref<1x128xi32, #tpu.memory_space<vmem>> -> memref<128xi32, #tpu.memory_space<vmem>>
    %dma_start3A_158 = arith.constant 0 : i32
    %dma_start3A_159 = arith.constant 0 : i32
    %dma_start3A_160 = tpu.memref_slice %arg4[%dma_start3A_158, %dma_start3A_159] : memref<2000000x64xf32, #tpu.memory_space<hbm>> -> memref<2000000x64xf32, #tpu.memory_space<hbm>>
    tpu.enqueue_indirect_dma source(%dma_start3A_160 : memref<2000000x64xf32, #tpu.memory_space<hbm>>) target(%arg7 : memref<128x64xf32, #tpu.memory_space<vmem>>) offsets(%dma_start3A_157 : memref<128xi32, #tpu.memory_space<vmem>>) semaphore(%arg19 : memref<!tpu.dma_semaphore, #tpu.memory_space<semaphore_mem>>)
    %dma_start3A_161 = arith.constant 0 : i32
    %dma_start3A_162 = arith.constant 0 : i32
    %dma_start3A_163 = tpu.memref_slice %arg3[%dma_start3A_161, %dma_start3A_162] : memref<200x64xf32, #tpu.memory_space<hbm>> -> memref<1x64xf32, #tpu.memory_space<hbm>>
    %dma_start3A_164 = tpu.memref_squeeze %dma_start3A_163 : memref<1x64xf32, #tpu.memory_space<hbm>> -> memref<64xf32, #tpu.memory_space<hbm>>
    %dma_start3A_165 = arith.constant 0 : i32
    %dma_start3A_166 = tpu.memref_slice %arg3[%dma_start3A_161, %dma_start3A_165] : memref<200x64xf32, #tpu.memory_space<hbm>> -> memref<1x64xf32, #tpu.memory_space<hbm>>
    %dma_start3A_167 = tpu.memref_squeeze %dma_start3A_166 : memref<1x64xf32, #tpu.memory_space<hbm>> -> memref<64xf32, #tpu.memory_space<hbm>>
    tpu.enqueue_dma source(%dma_start3A_167 : memref<64xf32, #tpu.memory_space<hbm>>) target(%arg11 : memref<64xf32, #tpu.memory_space<vmem>>) target_semaphore(%arg23 : memref<!tpu.dma_semaphore, #tpu.memory_space<semaphore_mem>>)
    %dma_start3A_168 = arith.constant 1 : i32
    %dma_start3A_169 = arith.constant 0 : i32
    %dma_start3A_170 = tpu.memref_slice %arg6[%dma_start3A_168, %dma_start3A_169] : memref<200x128xi32, #tpu.memory_space<vmem>> -> memref<1x128xi32, #tpu.memory_space<vmem>>
    %dma_start3A_171 = tpu.memref_squeeze %dma_start3A_170 : memref<1x128xi32, #tpu.memory_space<vmem>> -> memref<128xi32, #tpu.memory_space<vmem>>
    %dma_start3A_172 = arith.constant 0 : i32
    %dma_start3A_173 = arith.constant 0 : i32
    %dma_start3A_174 = tpu.memref_slice %arg4[%dma_start3A_172, %dma_start3A_173] : memref<2000000x64xf32, #tpu.memory_space<hbm>> -> memref<2000000x64xf32, #tpu.memory_space<hbm>>
    tpu.enqueue_indirect_dma source(%dma_start3A_174 : memref<2000000x64xf32, #tpu.memory_space<hbm>>) target(%arg8 : memref<128x64xf32, #tpu.memory_space<vmem>>) offsets(%dma_start3A_171 : memref<128xi32, #tpu.memory_space<vmem>>) semaphore(%arg20 : memref<!tpu.dma_semaphore, #tpu.memory_space<semaphore_mem>>)
    %dma_start3A_175 = arith.constant 1 : i32
    %dma_start3A_176 = arith.constant 0 : i32
    %dma_start3A_177 = tpu.memref_slice %arg3[%dma_start3A_175, %dma_start3A_176] : memref<200x64xf32, #tpu.memory_space<hbm>> -> memref<1x64xf32, #tpu.memory_space<hbm>>
    %dma_start3A_178 = tpu.memref_squeeze %dma_start3A_177 : memref<1x64xf32, #tpu.memory_space<hbm>> -> memref<64xf32, #tpu.memory_space<hbm>>
    %dma_start3A_179 = arith.constant 0 : i32
    %dma_start3A_180 = tpu.memref_slice %arg3[%dma_start3A_175, %dma_start3A_179] : memref<200x64xf32, #tpu.memory_space<hbm>> -> memref<1x64xf32, #tpu.memory_space<hbm>>
    %dma_start3A_181 = tpu.memref_squeeze %dma_start3A_180 : memref<1x64xf32, #tpu.memory_space<hbm>> -> memref<64xf32, #tpu.memory_space<hbm>>
    tpu.enqueue_dma source(%dma_start3A_181 : memref<64xf32, #tpu.memory_space<hbm>>) target(%arg12 : memref<64xf32, #tpu.memory_space<vmem>>) target_semaphore(%arg24 : memref<!tpu.dma_semaphore, #tpu.memory_space<semaphore_mem>>)
    %dma_start3A_182 = arith.constant 2 : i32
    %dma_start3A_183 = arith.constant 0 : i32
    %dma_start3A_184 = tpu.memref_slice %arg6[%dma_start3A_182, %dma_start3A_183] : memref<200x128xi32, #tpu.memory_space<vmem>> -> memref<1x128xi32, #tpu.memory_space<vmem>>
    %dma_start3A_185 = tpu.memref_squeeze %dma_start3A_184 : memref<1x128xi32, #tpu.memory_space<vmem>> -> memref<128xi32, #tpu.memory_space<vmem>>
    %dma_start3A_186 = arith.constant 0 : i32
    %dma_start3A_187 = arith.constant 0 : i32
    %dma_start3A_188 = tpu.memref_slice %arg4[%dma_start3A_186, %dma_start3A_187] : memref<2000000x64xf32, #tpu.memory_space<hbm>> -> memref<2000000x64xf32, #tpu.memory_space<hbm>>
    tpu.enqueue_indirect_dma source(%dma_start3A_188 : memref<2000000x64xf32, #tpu.memory_space<hbm>>) target(%arg9 : memref<128x64xf32, #tpu.memory_space<vmem>>) offsets(%dma_start3A_185 : memref<128xi32, #tpu.memory_space<vmem>>) semaphore(%arg21 : memref<!tpu.dma_semaphore, #tpu.memory_space<semaphore_mem>>)
    %dma_start3A_189 = arith.constant 2 : i32
    %dma_start3A_190 = arith.constant 0 : i32
    %dma_start3A_191 = tpu.memref_slice %arg3[%dma_start3A_189, %dma_start3A_190] : memref<200x64xf32, #tpu.memory_space<hbm>> -> memref<1x64xf32, #tpu.memory_space<hbm>>
    %dma_start3A_192 = tpu.memref_squeeze %dma_start3A_191 : memref<1x64xf32, #tpu.memory_space<hbm>> -> memref<64xf32, #tpu.memory_space<hbm>>
    %dma_start3A_193 = arith.constant 0 : i32
    %dma_start3A_194 = tpu.memref_slice %arg3[%dma_start3A_189, %dma_start3A_193] : memref<200x64xf32, #tpu.memory_space<hbm>> -> memref<1x64xf32, #tpu.memory_space<hbm>>
    %dma_start3A_195 = tpu.memref_squeeze %dma_start3A_194 : memref<1x64xf32, #tpu.memory_space<hbm>> -> memref<64xf32, #tpu.memory_space<hbm>>
    tpu.enqueue_dma source(%dma_start3A_195 : memref<64xf32, #tpu.memory_space<hbm>>) target(%arg13 : memref<64xf32, #tpu.memory_space<vmem>>) target_semaphore(%arg25 : memref<!tpu.dma_semaphore, #tpu.memory_space<semaphore_mem>>)
    %scan3A = arith.constant 0 : i32
    %scan3A_196 = arith.constant 0 : i32
    %scan3A_197 = arith.constant 50 : i32
    %scan3A_198 = arith.addi %scan3A_196, %scan3A_197 : i32
    %scan3A_199 = arith.constant 1 : i32
    scf.for %scan3A_276 = %scan3A_196 to %scan3A_198 step %scan3A_199  : i32 {
      %mul3A_277 = arith.constant 4 : i32
      %mul3A_278 = arith.muli %scan3A_276, %mul3A_277 : i32
      %add3A_279 = arith.constant 0 : i32
      %add3A_280 = arith.addi %mul3A_278, %add3A_279 : i32
      %add3A_281 = arith.constant 3 : i32
      %add3A_282 = arith.addi %add3A_280, %add3A_281 : i32
      %dma_start3A_283 = arith.constant 0 : i32
      %dma_start3A_284 = tpu.memref_slice %arg6[%add3A_282, %dma_start3A_283] : memref<200x128xi32, #tpu.memory_space<vmem>> -> memref<1x128xi32, #tpu.memory_space<vmem>>
      %dma_start3A_285 = tpu.memref_squeeze %dma_start3A_284 : memref<1x128xi32, #tpu.memory_space<vmem>> -> memref<128xi32, #tpu.memory_space<vmem>>
      %dma_start3A_286 = arith.constant 0 : i32
      %dma_start3A_287 = arith.constant 0 : i32
      %dma_start3A_288 = tpu.memref_slice %arg4[%dma_start3A_286, %dma_start3A_287] : memref<2000000x64xf32, #tpu.memory_space<hbm>> -> memref<2000000x64xf32, #tpu.memory_space<hbm>>
      tpu.enqueue_indirect_dma source(%dma_start3A_288 : memref<2000000x64xf32, #tpu.memory_space<hbm>>) target(%arg10 : memref<128x64xf32, #tpu.memory_space<vmem>>) offsets(%dma_start3A_285 : memref<128xi32, #tpu.memory_space<vmem>>) semaphore(%arg22 : memref<!tpu.dma_semaphore, #tpu.memory_space<semaphore_mem>>)
      %add3A_289 = arith.constant 3 : i32
      %add3A_290 = arith.addi %add3A_280, %add3A_289 : i32
      %dma_start3A_291 = arith.constant 0 : i32
      %dma_start3A_292 = tpu.memref_slice %arg3[%add3A_290, %dma_start3A_291] : memref<200x64xf32, #tpu.memory_space<hbm>> -> memref<1x64xf32, #tpu.memory_space<hbm>>
      %dma_start3A_293 = tpu.memref_squeeze %dma_start3A_292 : memref<1x64xf32, #tpu.memory_space<hbm>> -> memref<64xf32, #tpu.memory_space<hbm>>
      %dma_start3A_294 = arith.constant 0 : i32
      %dma_start3A_295 = tpu.memref_slice %arg3[%add3A_290, %dma_start3A_294] : memref<200x64xf32, #tpu.memory_space<hbm>> -> memref<1x64xf32, #tpu.memory_space<hbm>>
      %dma_start3A_296 = tpu.memref_squeeze %dma_start3A_295 : memref<1x64xf32, #tpu.memory_space<hbm>> -> memref<64xf32, #tpu.memory_space<hbm>>
      tpu.enqueue_dma source(%dma_start3A_296 : memref<64xf32, #tpu.memory_space<hbm>>) target(%arg14 : memref<64xf32, #tpu.memory_space<vmem>>) target_semaphore(%arg26 : memref<!tpu.dma_semaphore, #tpu.memory_space<semaphore_mem>>)
      %dma_wait3A_297 = arith.constant 0 : i32
      %dma_wait3A_298 = arith.constant 0 : i32
      %dma_wait3A_299 = tpu.memref_slice %arg6[%dma_wait3A_297, %dma_wait3A_298] : memref<200x128xi32, #tpu.memory_space<vmem>> -> memref<1x128xi32, #tpu.memory_space<vmem>>
      %dma_wait3A_300 = tpu.memref_squeeze %dma_wait3A_299 : memref<1x128xi32, #tpu.memory_space<vmem>> -> memref<128xi32, #tpu.memory_space<vmem>>
      %dma_wait3A_301 = arith.constant 0 : i32
      %dma_wait3A_302 = arith.constant 0 : i32
      %dma_wait3A_303 = tpu.memref_slice %arg4[%dma_wait3A_301, %dma_wait3A_302] : memref<2000000x64xf32, #tpu.memory_space<hbm>> -> memref<2000000x64xf32, #tpu.memory_space<hbm>>
      tpu.wait_indirect_dma semaphore(%arg19 : memref<!tpu.dma_semaphore, #tpu.memory_space<semaphore_mem>>) src(%dma_wait3A_303 : memref<2000000x64xf32, #tpu.memory_space<hbm>>) dst(%arg7 : memref<128x64xf32, #tpu.memory_space<vmem>>)
      %dma_wait3A_304 = arith.constant 0 : i32
      %dma_wait3A_305 = arith.constant 0 : i32
      %dma_wait3A_306 = tpu.memref_slice %arg3[%dma_wait3A_304, %dma_wait3A_305] : memref<200x64xf32, #tpu.memory_space<hbm>> -> memref<1x64xf32, #tpu.memory_space<hbm>>
      %dma_wait3A_307 = tpu.memref_squeeze %dma_wait3A_306 : memref<1x64xf32, #tpu.memory_space<hbm>> -> memref<64xf32, #tpu.memory_space<hbm>>
      %dma_wait3A_308 = arith.constant 0 : i32
      %dma_wait3A_309 = tpu.memref_slice %arg3[%dma_wait3A_304, %dma_wait3A_308] : memref<200x64xf32, #tpu.memory_space<hbm>> -> memref<1x64xf32, #tpu.memory_space<hbm>>
      %dma_wait3A_310 = tpu.memref_squeeze %dma_wait3A_309 : memref<1x64xf32, #tpu.memory_space<hbm>> -> memref<64xf32, #tpu.memory_space<hbm>>
      tpu.wait_dma2 semaphore(%arg23 : memref<!tpu.dma_semaphore, #tpu.memory_space<semaphore_mem>>) src(%dma_wait3A_310 : memref<64xf32, #tpu.memory_space<hbm>>) dst(%arg11 : memref<64xf32, #tpu.memory_space<vmem>>)
      %gt3A = arith.constant 0 : i32
      %gt3A_311 = arith.cmpi sgt, %scan3A_276, %gt3A : i32
      %convert_element_type3A = arith.extui %gt3A_311 : i1 to i32
      %cond3A = arith.constant 0 : i32
      %cond3A_312 = arith.cmpi ne, %convert_element_type3A, %cond3A : i32
      scf.if %cond3A_312 {
        %dma_wait3A_510 = arith.constant 0 : i32
        %dma_wait3A_511 = arith.constant 0 : i32
        %dma_wait3A_512 = arith.constant 0 : i32
        %dma_wait3A_513 = arith.constant 0 : i32
        %dma_wait3A_514 = tpu.memref_slice %arg15[%dma_wait3A_511, %dma_wait3A_512, %dma_wait3A_513] : memref<8x8x129xf32, #tpu.memory_space<vmem>> -> memref<8x8x128xf32, #tpu.memory_space<vmem>>
        %dma_wait3A_515 = arith.constant 0 : i32
        %dma_wait3A_516 = arith.constant 0 : i32
        %dma_wait3A_517 = arith.constant 0 : i32
        %dma_wait3A_518 = tpu.memref_slice %arg5[%dma_wait3A_510, %dma_wait3A_515, %add3A, %dma_wait3A_516, %dma_wait3A_517] : memref<200x8x32x8x128xf32, #tpu.memory_space<hbm>> -> memref<1x8x1x8x128xf32, #tpu.memory_space<hbm>>
        %dma_wait3A_519 = tpu.memref_squeeze %dma_wait3A_518 : memref<1x8x1x8x128xf32, #tpu.memory_space<hbm>> -> memref<8x8x128xf32, #tpu.memory_space<hbm>>
        %dma_wait3A_520 = arith.constant 0 : i32
        %dma_wait3A_521 = arith.constant 0 : i32
        %dma_wait3A_522 = arith.constant 0 : i32
        %dma_wait3A_523 = tpu.memref_slice %arg5[%dma_wait3A_510, %dma_wait3A_520, %add3A, %dma_wait3A_521, %dma_wait3A_522] : memref<200x8x32x8x128xf32, #tpu.memory_space<hbm>> -> memref<1x8x1x8x128xf32, #tpu.memory_space<hbm>>
        %dma_wait3A_524 = tpu.memref_squeeze %dma_wait3A_523 : memref<1x8x1x8x128xf32, #tpu.memory_space<hbm>> -> memref<8x8x128xf32, #tpu.memory_space<hbm>>
        %dma_wait3A_525 = arith.constant 0 : i32
        %dma_wait3A_526 = arith.constant 0 : i32
        %dma_wait3A_527 = arith.constant 0 : i32
        %dma_wait3A_528 = tpu.memref_slice %arg15[%dma_wait3A_525, %dma_wait3A_526, %dma_wait3A_527] : memref<8x8x129xf32, #tpu.memory_space<vmem>> -> memref<8x8x128xf32, #tpu.memory_space<vmem>>
        tpu.wait_dma2 semaphore(%arg27 : memref<!tpu.dma_semaphore, #tpu.memory_space<semaphore_mem>>) src(%dma_wait3A_528 : memref<8x8x128xf32, #tpu.memory_space<vmem>>) dst(%dma_wait3A_524 : memref<8x8x128xf32, #tpu.memory_space<hbm>>)
      } else {
      }
      %get3A = arith.constant 0 : index
      %get3A_313 = tpu.vector_load %arg11[%get3A] {strides = array<i32>} : memref<64xf32, #tpu.memory_space<vmem>>, vector<16xf32>,
      %get3A_314 = arith.constant 16 : index
      %get3A_315 = tpu.vector_load %arg11[%get3A_314] {strides = array<i32>} : memref<64xf32, #tpu.memory_space<vmem>>, vector<16xf32>,
      %get3A_316 = arith.constant 32 : index
      %get3A_317 = tpu.vector_load %arg11[%get3A_316] {strides = array<i32>} : memref<64xf32, #tpu.memory_space<vmem>>, vector<16xf32>,
      %get3A_318 = arith.constant 48 : index
      %get3A_319 = tpu.vector_load %arg11[%get3A_318] {strides = array<i32>} : memref<64xf32, #tpu.memory_space<vmem>>, vector<16xf32>,
      %parallel_loop3A = arith.constant 0 : i32
      %parallel_loop3A_320 = arith.constant 128 : i32
      %parallel_loop3A_321 = arith.constant 1 : i32
      scf.for %parallel_loop3A_510 = %parallel_loop3A to %parallel_loop3A_320 step %parallel_loop3A_321  : i32 {
        %parallel_loop3A_511 = arith.constant 0 : i32
        %parallel_loop3A_512 = vector.broadcast %parallel_loop3A_511 : i32 to vector<16xi32>
        %parallel_loop3A_513 = arith.muli %iota3A, %parallel_loop3A_512 : vector<16xi32>
        %parallel_loop3A_514 = vector.broadcast %parallel_loop3A_510 : i32 to vector<16xi32>
        %parallel_loop3A_515 = arith.addi %parallel_loop3A_513, %parallel_loop3A_514 : vector<16xi32>
        %parallel_loop3A_516 = arith.index_cast %parallel_loop3A_510 : i32 to index
        %parallel_loop3A_517 = arith.constant 0 : index
        %parallel_loop3A_518 = tpu.vector_load %arg7[%parallel_loop3A_516, %parallel_loop3A_517] {strides = array<i32>} : memref<128x64xf32, #tpu.memory_space<vmem>>, vector<16xf32>,
        %parallel_loop3A_519 = arith.addf %parallel_loop3A_518, %get3A_313 : vector<16xf32>
        tpu.vector_store_idx %arg15[%select_n3A, %rem3A_136, %parallel_loop3A_515], %parallel_loop3A_519 : memref<8x8x129xf32, #tpu.memory_space<vmem>>[vector<16xi32>, vector<16xi32>, vector<16xi32>], vector<16xf32>,
        %parallel_loop3A_520 = arith.index_cast %parallel_loop3A_510 : i32 to index
        %parallel_loop3A_521 = arith.constant 16 : index
        %parallel_loop3A_522 = tpu.vector_load %arg7[%parallel_loop3A_520, %parallel_loop3A_521] {strides = array<i32>} : memref<128x64xf32, #tpu.memory_space<vmem>>, vector<16xf32>,
        %parallel_loop3A_523 = arith.addf %parallel_loop3A_522, %get3A_315 : vector<16xf32>
        tpu.vector_store_idx %arg15[%select_n3A_62, %rem3A_142, %parallel_loop3A_515], %parallel_loop3A_523 : memref<8x8x129xf32, #tpu.memory_space<vmem>>[vector<16xi32>, vector<16xi32>, vector<16xi32>], vector<16xf32>,
        %parallel_loop3A_524 = arith.index_cast %parallel_loop3A_510 : i32 to index
        %parallel_loop3A_525 = arith.constant 32 : index
        %parallel_loop3A_526 = tpu.vector_load %arg7[%parallel_loop3A_524, %parallel_loop3A_525] {strides = array<i32>} : memref<128x64xf32, #tpu.memory_space<vmem>>, vector<16xf32>,
        %parallel_loop3A_527 = arith.addf %parallel_loop3A_526, %get3A_317 : vector<16xf32>
        tpu.vector_store_idx %arg15[%select_n3A_96, %rem3A_148, %parallel_loop3A_515], %parallel_loop3A_527 : memref<8x8x129xf32, #tpu.memory_space<vmem>>[vector<16xi32>, vector<16xi32>, vector<16xi32>], vector<16xf32>,
        %parallel_loop3A_528 = arith.index_cast %parallel_loop3A_510 : i32 to index
        %parallel_loop3A_529 = arith.constant 48 : index
        %parallel_loop3A_530 = tpu.vector_load %arg7[%parallel_loop3A_528, %parallel_loop3A_529] {strides = array<i32>} : memref<128x64xf32, #tpu.memory_space<vmem>>, vector<16xf32>,
        %parallel_loop3A_531 = arith.addf %parallel_loop3A_530, %get3A_319 : vector<16xf32>
        tpu.vector_store_idx %arg15[%select_n3A_130, %rem3A_154, %parallel_loop3A_515], %parallel_loop3A_531 : memref<8x8x129xf32, #tpu.memory_space<vmem>>[vector<16xi32>, vector<16xi32>, vector<16xi32>], vector<16xf32>,
      } {sc.loop_unroll_factor = 4 : i64, sc.parallel_access}
      %dma_start3A_322 = arith.constant 0 : i32
      %dma_start3A_323 = arith.constant 0 : i32
      %dma_start3A_324 = arith.constant 0 : i32
      %dma_start3A_325 = tpu.memref_slice %arg15[%dma_start3A_322, %dma_start3A_323, %dma_start3A_324] : memref<8x8x129xf32, #tpu.memory_space<vmem>> -> memref<8x8x128xf32, #tpu.memory_space<vmem>>
      %dma_start3A_326 = arith.constant 0 : i32
      %dma_start3A_327 = arith.constant 0 : i32
      %dma_start3A_328 = arith.constant 0 : i32
      %dma_start3A_329 = tpu.memref_slice %arg5[%add3A_280, %dma_start3A_326, %add3A, %dma_start3A_327, %dma_start3A_328] : memref<200x8x32x8x128xf32, #tpu.memory_space<hbm>> -> memref<1x8x1x8x128xf32, #tpu.memory_space<hbm>>
      %dma_start3A_330 = tpu.memref_squeeze %dma_start3A_329 : memref<1x8x1x8x128xf32, #tpu.memory_space<hbm>> -> memref<8x8x128xf32, #tpu.memory_space<hbm>>
      %dma_start3A_331 = arith.constant 0 : i32
      %dma_start3A_332 = arith.constant 0 : i32
      %dma_start3A_333 = arith.constant 0 : i32
      %dma_start3A_334 = tpu.memref_slice %arg5[%add3A_280, %dma_start3A_331, %add3A, %dma_start3A_332, %dma_start3A_333] : memref<200x8x32x8x128xf32, #tpu.memory_space<hbm>> -> memref<1x8x1x8x128xf32, #tpu.memory_space<hbm>>
      %dma_start3A_335 = tpu.memref_squeeze %dma_start3A_334 : memref<1x8x1x8x128xf32, #tpu.memory_space<hbm>> -> memref<8x8x128xf32, #tpu.memory_space<hbm>>
      %dma_start3A_336 = arith.constant 0 : i32
      %dma_start3A_337 = arith.constant 0 : i32
      %dma_start3A_338 = arith.constant 0 : i32
      %dma_start3A_339 = tpu.memref_slice %arg15[%dma_start3A_336, %dma_start3A_337, %dma_start3A_338] : memref<8x8x129xf32, #tpu.memory_space<vmem>> -> memref<8x8x128xf32, #tpu.memory_space<vmem>>
      tpu.enqueue_dma source(%dma_start3A_339 : memref<8x8x128xf32, #tpu.memory_space<vmem>>) target(%dma_start3A_335 : memref<8x8x128xf32, #tpu.memory_space<hbm>>) target_semaphore(%arg27 : memref<!tpu.dma_semaphore, #tpu.memory_space<semaphore_mem>>)
      %mul3A_340 = arith.constant 4 : i32
      %mul3A_341 = arith.muli %scan3A_276, %mul3A_340 : i32
      %add3A_342 = arith.constant 1 : i32
      %add3A_343 = arith.addi %mul3A_341, %add3A_342 : i32
      %lt3A = arith.constant 49 : i32
      %lt3A_344 = arith.cmpi slt, %scan3A_276, %lt3A : i32
      %convert_element_type3A_345 = arith.extui %lt3A_344 : i1 to i32
      %cond3A_346 = arith.constant 0 : i32
      %cond3A_347 = arith.cmpi ne, %convert_element_type3A_345, %cond3A_346 : i32
      scf.if %cond3A_347 {
        %add3A_510 = arith.constant 3 : i32
        %add3A_511 = arith.addi %add3A_343, %add3A_510 : i32
        %dma_start3A_512 = arith.constant 0 : i32
        %dma_start3A_513 = tpu.memref_slice %arg6[%add3A_511, %dma_start3A_512] : memref<200x128xi32, #tpu.memory_space<vmem>> -> memref<1x128xi32, #tpu.memory_space<vmem>>
        %dma_start3A_514 = tpu.memref_squeeze %dma_start3A_513 : memref<1x128xi32, #tpu.memory_space<vmem>> -> memref<128xi32, #tpu.memory_space<vmem>>
        %dma_start3A_515 = arith.constant 0 : i32
        %dma_start3A_516 = arith.constant 0 : i32
        %dma_start3A_517 = tpu.memref_slice %arg4[%dma_start3A_515, %dma_start3A_516] : memref<2000000x64xf32, #tpu.memory_space<hbm>> -> memref<2000000x64xf32, #tpu.memory_space<hbm>>
        tpu.enqueue_indirect_dma source(%dma_start3A_517 : memref<2000000x64xf32, #tpu.memory_space<hbm>>) target(%arg7 : memref<128x64xf32, #tpu.memory_space<vmem>>) offsets(%dma_start3A_514 : memref<128xi32, #tpu.memory_space<vmem>>) semaphore(%arg19 : memref<!tpu.dma_semaphore, #tpu.memory_space<semaphore_mem>>)
        %add3A_518 = arith.constant 3 : i32
        %add3A_519 = arith.addi %add3A_343, %add3A_518 : i32
        %dma_start3A_520 = arith.constant 0 : i32
        %dma_start3A_521 = tpu.memref_slice %arg3[%add3A_519, %dma_start3A_520] : memref<200x64xf32, #tpu.memory_space<hbm>> -> memref<1x64xf32, #tpu.memory_space<hbm>>
        %dma_start3A_522 = tpu.memref_squeeze %dma_start3A_521 : memref<1x64xf32, #tpu.memory_space<hbm>> -> memref<64xf32, #tpu.memory_space<hbm>>
        %dma_start3A_523 = arith.constant 0 : i32
        %dma_start3A_524 = tpu.memref_slice %arg3[%add3A_519, %dma_start3A_523] : memref<200x64xf32, #tpu.memory_space<hbm>> -> memref<1x64xf32, #tpu.memory_space<hbm>>
        %dma_start3A_525 = tpu.memref_squeeze %dma_start3A_524 : memref<1x64xf32, #tpu.memory_space<hbm>> -> memref<64xf32, #tpu.memory_space<hbm>>
        tpu.enqueue_dma source(%dma_start3A_525 : memref<64xf32, #tpu.memory_space<hbm>>) target(%arg11 : memref<64xf32, #tpu.memory_space<vmem>>) target_semaphore(%arg23 : memref<!tpu.dma_semaphore, #tpu.memory_space<semaphore_mem>>)
      } else {
      }
      %dma_wait3A_348 = arith.constant 0 : i32
      %dma_wait3A_349 = arith.constant 0 : i32
      %dma_wait3A_350 = tpu.memref_slice %arg6[%dma_wait3A_348, %dma_wait3A_349] : memref<200x128xi32, #tpu.memory_space<vmem>> -> memref<1x128xi32, #tpu.memory_space<vmem>>
      %dma_wait3A_351 = tpu.memref_squeeze %dma_wait3A_350 : memref<1x128xi32, #tpu.memory_space<vmem>> -> memref<128xi32, #tpu.memory_space<vmem>>
      %dma_wait3A_352 = arith.constant 0 : i32
      %dma_wait3A_353 = arith.constant 0 : i32
      %dma_wait3A_354 = tpu.memref_slice %arg4[%dma_wait3A_352, %dma_wait3A_353] : memref<2000000x64xf32, #tpu.memory_space<hbm>> -> memref<2000000x64xf32, #tpu.memory_space<hbm>>
      tpu.wait_indirect_dma semaphore(%arg20 : memref<!tpu.dma_semaphore, #tpu.memory_space<semaphore_mem>>) src(%dma_wait3A_354 : memref<2000000x64xf32, #tpu.memory_space<hbm>>) dst(%arg8 : memref<128x64xf32, #tpu.memory_space<vmem>>)
      %dma_wait3A_355 = arith.constant 0 : i32
      %dma_wait3A_356 = arith.constant 0 : i32
      %dma_wait3A_357 = tpu.memref_slice %arg3[%dma_wait3A_355, %dma_wait3A_356] : memref<200x64xf32, #tpu.memory_space<hbm>> -> memref<1x64xf32, #tpu.memory_space<hbm>>
      %dma_wait3A_358 = tpu.memref_squeeze %dma_wait3A_357 : memref<1x64xf32, #tpu.memory_space<hbm>> -> memref<64xf32, #tpu.memory_space<hbm>>
      %dma_wait3A_359 = arith.constant 0 : i32
      %dma_wait3A_360 = tpu.memref_slice %arg3[%dma_wait3A_355, %dma_wait3A_359] : memref<200x64xf32, #tpu.memory_space<hbm>> -> memref<1x64xf32, #tpu.memory_space<hbm>>
      %dma_wait3A_361 = tpu.memref_squeeze %dma_wait3A_360 : memref<1x64xf32, #tpu.memory_space<hbm>> -> memref<64xf32, #tpu.memory_space<hbm>>
      tpu.wait_dma2 semaphore(%arg24 : memref<!tpu.dma_semaphore, #tpu.memory_space<semaphore_mem>>) src(%dma_wait3A_361 : memref<64xf32, #tpu.memory_space<hbm>>) dst(%arg12 : memref<64xf32, #tpu.memory_space<vmem>>)
      %gt3A_362 = arith.constant 0 : i32
      %gt3A_363 = arith.cmpi sgt, %scan3A_276, %gt3A_362 : i32
      %convert_element_type3A_364 = arith.extui %gt3A_363 : i1 to i32
      %cond3A_365 = arith.constant 0 : i32
      %cond3A_366 = arith.cmpi ne, %convert_element_type3A_364, %cond3A_365 : i32
      scf.if %cond3A_366 {
        %dma_wait3A_510 = arith.constant 0 : i32
        %dma_wait3A_511 = arith.constant 0 : i32
        %dma_wait3A_512 = arith.constant 0 : i32
        %dma_wait3A_513 = arith.constant 0 : i32
        %dma_wait3A_514 = tpu.memref_slice %arg16[%dma_wait3A_511, %dma_wait3A_512, %dma_wait3A_513] : memref<8x8x129xf32, #tpu.memory_space<vmem>> -> memref<8x8x128xf32, #tpu.memory_space<vmem>>
        %dma_wait3A_515 = arith.constant 0 : i32
        %dma_wait3A_516 = arith.constant 0 : i32
        %dma_wait3A_517 = arith.constant 0 : i32
        %dma_wait3A_518 = tpu.memref_slice %arg5[%dma_wait3A_510, %dma_wait3A_515, %add3A, %dma_wait3A_516, %dma_wait3A_517] : memref<200x8x32x8x128xf32, #tpu.memory_space<hbm>> -> memref<1x8x1x8x128xf32, #tpu.memory_space<hbm>>
        %dma_wait3A_519 = tpu.memref_squeeze %dma_wait3A_518 : memref<1x8x1x8x128xf32, #tpu.memory_space<hbm>> -> memref<8x8x128xf32, #tpu.memory_space<hbm>>
        %dma_wait3A_520 = arith.constant 0 : i32
        %dma_wait3A_521 = arith.constant 0 : i32
        %dma_wait3A_522 = arith.constant 0 : i32
        %dma_wait3A_523 = tpu.memref_slice %arg5[%dma_wait3A_510, %dma_wait3A_520, %add3A, %dma_wait3A_521, %dma_wait3A_522] : memref<200x8x32x8x128xf32, #tpu.memory_space<hbm>> -> memref<1x8x1x8x128xf32, #tpu.memory_space<hbm>>
        %dma_wait3A_524 = tpu.memref_squeeze %dma_wait3A_523 : memref<1x8x1x8x128xf32, #tpu.memory_space<hbm>> -> memref<8x8x128xf32, #tpu.memory_space<hbm>>
        %dma_wait3A_525 = arith.constant 0 : i32
        %dma_wait3A_526 = arith.constant 0 : i32
        %dma_wait3A_527 = arith.constant 0 : i32
        %dma_wait3A_528 = tpu.memref_slice %arg16[%dma_wait3A_525, %dma_wait3A_526, %dma_wait3A_527] : memref<8x8x129xf32, #tpu.memory_space<vmem>> -> memref<8x8x128xf32, #tpu.memory_space<vmem>>
        tpu.wait_dma2 semaphore(%arg28 : memref<!tpu.dma_semaphore, #tpu.memory_space<semaphore_mem>>) src(%dma_wait3A_528 : memref<8x8x128xf32, #tpu.memory_space<vmem>>) dst(%dma_wait3A_524 : memref<8x8x128xf32, #tpu.memory_space<hbm>>)
      } else {
      }
      %get3A_367 = arith.constant 0 : index
      %get3A_368 = tpu.vector_load %arg12[%get3A_367] {strides = array<i32>} : memref<64xf32, #tpu.memory_space<vmem>>, vector<16xf32>,
      %get3A_369 = arith.constant 16 : index
      %get3A_370 = tpu.vector_load %arg12[%get3A_369] {strides = array<i32>} : memref<64xf32, #tpu.memory_space<vmem>>, vector<16xf32>,
      %get3A_371 = arith.constant 32 : index
      %get3A_372 = tpu.vector_load %arg12[%get3A_371] {strides = array<i32>} : memref<64xf32, #tpu.memory_space<vmem>>, vector<16xf32>,
      %get3A_373 = arith.constant 48 : index
      %get3A_374 = tpu.vector_load %arg12[%get3A_373] {strides = array<i32>} : memref<64xf32, #tpu.memory_space<vmem>>, vector<16xf32>,
      %parallel_loop3A_375 = arith.constant 0 : i32
      %parallel_loop3A_376 = arith.constant 128 : i32
      %parallel_loop3A_377 = arith.constant 1 : i32
      scf.for %parallel_loop3A_510 = %parallel_loop3A_375 to %parallel_loop3A_376 step %parallel_loop3A_377  : i32 {
        %parallel_loop3A_511 = arith.constant 0 : i32
        %parallel_loop3A_512 = vector.broadcast %parallel_loop3A_511 : i32 to vector<16xi32>
        %parallel_loop3A_513 = arith.muli %iota3A, %parallel_loop3A_512 : vector<16xi32>
        %parallel_loop3A_514 = vector.broadcast %parallel_loop3A_510 : i32 to vector<16xi32>
        %parallel_loop3A_515 = arith.addi %parallel_loop3A_513, %parallel_loop3A_514 : vector<16xi32>
        %parallel_loop3A_516 = arith.index_cast %parallel_loop3A_510 : i32 to index
        %parallel_loop3A_517 = arith.constant 0 : index
        %parallel_loop3A_518 = tpu.vector_load %arg8[%parallel_loop3A_516, %parallel_loop3A_517] {strides = array<i32>} : memref<128x64xf32, #tpu.memory_space<vmem>>, vector<16xf32>,
        %parallel_loop3A_519 = arith.addf %parallel_loop3A_518, %get3A_368 : vector<16xf32>
        tpu.vector_store_idx %arg16[%select_n3A, %rem3A_136, %parallel_loop3A_515], %parallel_loop3A_519 : memref<8x8x129xf32, #tpu.memory_space<vmem>>[vector<16xi32>, vector<16xi32>, vector<16xi32>], vector<16xf32>,
        %parallel_loop3A_520 = arith.index_cast %parallel_loop3A_510 : i32 to index
        %parallel_loop3A_521 = arith.constant 16 : index
        %parallel_loop3A_522 = tpu.vector_load %arg8[%parallel_loop3A_520, %parallel_loop3A_521] {strides = array<i32>} : memref<128x64xf32, #tpu.memory_space<vmem>>, vector<16xf32>,
        %parallel_loop3A_523 = arith.addf %parallel_loop3A_522, %get3A_370 : vector<16xf32>
        tpu.vector_store_idx %arg16[%select_n3A_62, %rem3A_142, %parallel_loop3A_515], %parallel_loop3A_523 : memref<8x8x129xf32, #tpu.memory_space<vmem>>[vector<16xi32>, vector<16xi32>, vector<16xi32>], vector<16xf32>,
        %parallel_loop3A_524 = arith.index_cast %parallel_loop3A_510 : i32 to index
        %parallel_loop3A_525 = arith.constant 32 : index
        %parallel_loop3A_526 = tpu.vector_load %arg8[%parallel_loop3A_524, %parallel_loop3A_525] {strides = array<i32>} : memref<128x64xf32, #tpu.memory_space<vmem>>, vector<16xf32>,
        %parallel_loop3A_527 = arith.addf %parallel_loop3A_526, %get3A_372 : vector<16xf32>
        tpu.vector_store_idx %arg16[%select_n3A_96, %rem3A_148, %parallel_loop3A_515], %parallel_loop3A_527 : memref<8x8x129xf32, #tpu.memory_space<vmem>>[vector<16xi32>, vector<16xi32>, vector<16xi32>], vector<16xf32>,
        %parallel_loop3A_528 = arith.index_cast %parallel_loop3A_510 : i32 to index
        %parallel_loop3A_529 = arith.constant 48 : index
        %parallel_loop3A_530 = tpu.vector_load %arg8[%parallel_loop3A_528, %parallel_loop3A_529] {strides = array<i32>} : memref<128x64xf32, #tpu.memory_space<vmem>>, vector<16xf32>,
        %parallel_loop3A_531 = arith.addf %parallel_loop3A_530, %get3A_374 : vector<16xf32>
        tpu.vector_store_idx %arg16[%select_n3A_130, %rem3A_154, %parallel_loop3A_515], %parallel_loop3A_531 : memref<8x8x129xf32, #tpu.memory_space<vmem>>[vector<16xi32>, vector<16xi32>, vector<16xi32>], vector<16xf32>,
      } {sc.loop_unroll_factor = 4 : i64, sc.parallel_access}
      %dma_start3A_378 = arith.constant 0 : i32
      %dma_start3A_379 = arith.constant 0 : i32
      %dma_start3A_380 = arith.constant 0 : i32
      %dma_start3A_381 = tpu.memref_slice %arg16[%dma_start3A_378, %dma_start3A_379, %dma_start3A_380] : memref<8x8x129xf32, #tpu.memory_space<vmem>> -> memref<8x8x128xf32, #tpu.memory_space<vmem>>
      %dma_start3A_382 = arith.constant 0 : i32
      %dma_start3A_383 = arith.constant 0 : i32
      %dma_start3A_384 = arith.constant 0 : i32
      %dma_start3A_385 = tpu.memref_slice %arg5[%add3A_343, %dma_start3A_382, %add3A, %dma_start3A_383, %dma_start3A_384] : memref<200x8x32x8x128xf32, #tpu.memory_space<hbm>> -> memref<1x8x1x8x128xf32, #tpu.memory_space<hbm>>
      %dma_start3A_386 = tpu.memref_squeeze %dma_start3A_385 : memref<1x8x1x8x128xf32, #tpu.memory_space<hbm>> -> memref<8x8x128xf32, #tpu.memory_space<hbm>>
      %dma_start3A_387 = arith.constant 0 : i32
      %dma_start3A_388 = arith.constant 0 : i32
      %dma_start3A_389 = arith.constant 0 : i32
      %dma_start3A_390 = tpu.memref_slice %arg5[%add3A_343, %dma_start3A_387, %add3A, %dma_start3A_388, %dma_start3A_389] : memref<200x8x32x8x128xf32, #tpu.memory_space<hbm>> -> memref<1x8x1x8x128xf32, #tpu.memory_space<hbm>>
      %dma_start3A_391 = tpu.memref_squeeze %dma_start3A_390 : memref<1x8x1x8x128xf32, #tpu.memory_space<hbm>> -> memref<8x8x128xf32, #tpu.memory_space<hbm>>
      %dma_start3A_392 = arith.constant 0 : i32
      %dma_start3A_393 = arith.constant 0 : i32
      %dma_start3A_394 = arith.constant 0 : i32
      %dma_start3A_395 = tpu.memref_slice %arg16[%dma_start3A_392, %dma_start3A_393, %dma_start3A_394] : memref<8x8x129xf32, #tpu.memory_space<vmem>> -> memref<8x8x128xf32, #tpu.memory_space<vmem>>
      tpu.enqueue_dma source(%dma_start3A_395 : memref<8x8x128xf32, #tpu.memory_space<vmem>>) target(%dma_start3A_391 : memref<8x8x128xf32, #tpu.memory_space<hbm>>) target_semaphore(%arg28 : memref<!tpu.dma_semaphore, #tpu.memory_space<semaphore_mem>>)
      %mul3A_396 = arith.constant 4 : i32
      %mul3A_397 = arith.muli %scan3A_276, %mul3A_396 : i32
      %add3A_398 = arith.constant 2 : i32
      %add3A_399 = arith.addi %mul3A_397, %add3A_398 : i32
      %lt3A_400 = arith.constant 49 : i32
      %lt3A_401 = arith.cmpi slt, %scan3A_276, %lt3A_400 : i32
      %convert_element_type3A_402 = arith.extui %lt3A_401 : i1 to i32
      %cond3A_403 = arith.constant 0 : i32
      %cond3A_404 = arith.cmpi ne, %convert_element_type3A_402, %cond3A_403 : i32
      scf.if %cond3A_404 {
        %add3A_510 = arith.constant 3 : i32
        %add3A_511 = arith.addi %add3A_399, %add3A_510 : i32
        %dma_start3A_512 = arith.constant 0 : i32
        %dma_start3A_513 = tpu.memref_slice %arg6[%add3A_511, %dma_start3A_512] : memref<200x128xi32, #tpu.memory_space<vmem>> -> memref<1x128xi32, #tpu.memory_space<vmem>>
        %dma_start3A_514 = tpu.memref_squeeze %dma_start3A_513 : memref<1x128xi32, #tpu.memory_space<vmem>> -> memref<128xi32, #tpu.memory_space<vmem>>
        %dma_start3A_515 = arith.constant 0 : i32
        %dma_start3A_516 = arith.constant 0 : i32
        %dma_start3A_517 = tpu.memref_slice %arg4[%dma_start3A_515, %dma_start3A_516] : memref<2000000x64xf32, #tpu.memory_space<hbm>> -> memref<2000000x64xf32, #tpu.memory_space<hbm>>
        tpu.enqueue_indirect_dma source(%dma_start3A_517 : memref<2000000x64xf32, #tpu.memory_space<hbm>>) target(%arg8 : memref<128x64xf32, #tpu.memory_space<vmem>>) offsets(%dma_start3A_514 : memref<128xi32, #tpu.memory_space<vmem>>) semaphore(%arg20 : memref<!tpu.dma_semaphore, #tpu.memory_space<semaphore_mem>>)
        %add3A_518 = arith.constant 3 : i32
        %add3A_519 = arith.addi %add3A_399, %add3A_518 : i32
        %dma_start3A_520 = arith.constant 0 : i32
        %dma_start3A_521 = tpu.memref_slice %arg3[%add3A_519, %dma_start3A_520] : memref<200x64xf32, #tpu.memory_space<hbm>> -> memref<1x64xf32, #tpu.memory_space<hbm>>
        %dma_start3A_522 = tpu.memref_squeeze %dma_start3A_521 : memref<1x64xf32, #tpu.memory_space<hbm>> -> memref<64xf32, #tpu.memory_space<hbm>>
        %dma_start3A_523 = arith.constant 0 : i32
        %dma_start3A_524 = tpu.memref_slice %arg3[%add3A_519, %dma_start3A_523] : memref<200x64xf32, #tpu.memory_space<hbm>> -> memref<1x64xf32, #tpu.memory_space<hbm>>
        %dma_start3A_525 = tpu.memref_squeeze %dma_start3A_524 : memref<1x64xf32, #tpu.memory_space<hbm>> -> memref<64xf32, #tpu.memory_space<hbm>>
        tpu.enqueue_dma source(%dma_start3A_525 : memref<64xf32, #tpu.memory_space<hbm>>) target(%arg12 : memref<64xf32, #tpu.memory_space<vmem>>) target_semaphore(%arg24 : memref<!tpu.dma_semaphore, #tpu.memory_space<semaphore_mem>>)
      } else {
      }
      %dma_wait3A_405 = arith.constant 0 : i32
      %dma_wait3A_406 = arith.constant 0 : i32
      %dma_wait3A_407 = tpu.memref_slice %arg6[%dma_wait3A_405, %dma_wait3A_406] : memref<200x128xi32, #tpu.memory_space<vmem>> -> memref<1x128xi32, #tpu.memory_space<vmem>>
      %dma_wait3A_408 = tpu.memref_squeeze %dma_wait3A_407 : memref<1x128xi32, #tpu.memory_space<vmem>> -> memref<128xi32, #tpu.memory_space<vmem>>
      %dma_wait3A_409 = arith.constant 0 : i32
      %dma_wait3A_410 = arith.constant 0 : i32
      %dma_wait3A_411 = tpu.memref_slice %arg4[%dma_wait3A_409, %dma_wait3A_410] : memref<2000000x64xf32, #tpu.memory_space<hbm>> -> memref<2000000x64xf32, #tpu.memory_space<hbm>>
      tpu.wait_indirect_dma semaphore(%arg21 : memref<!tpu.dma_semaphore, #tpu.memory_space<semaphore_mem>>) src(%dma_wait3A_411 : memref<2000000x64xf32, #tpu.memory_space<hbm>>) dst(%arg9 : memref<128x64xf32, #tpu.memory_space<vmem>>)
      %dma_wait3A_412 = arith.constant 0 : i32
      %dma_wait3A_413 = arith.constant 0 : i32
      %dma_wait3A_414 = tpu.memref_slice %arg3[%dma_wait3A_412, %dma_wait3A_413] : memref<200x64xf32, #tpu.memory_space<hbm>> -> memref<1x64xf32, #tpu.memory_space<hbm>>
      %dma_wait3A_415 = tpu.memref_squeeze %dma_wait3A_414 : memref<1x64xf32, #tpu.memory_space<hbm>> -> memref<64xf32, #tpu.memory_space<hbm>>
      %dma_wait3A_416 = arith.constant 0 : i32
      %dma_wait3A_417 = tpu.memref_slice %arg3[%dma_wait3A_412, %dma_wait3A_416] : memref<200x64xf32, #tpu.memory_space<hbm>> -> memref<1x64xf32, #tpu.memory_space<hbm>>
      %dma_wait3A_418 = tpu.memref_squeeze %dma_wait3A_417 : memref<1x64xf32, #tpu.memory_space<hbm>> -> memref<64xf32, #tpu.memory_space<hbm>>
      tpu.wait_dma2 semaphore(%arg25 : memref<!tpu.dma_semaphore, #tpu.memory_space<semaphore_mem>>) src(%dma_wait3A_418 : memref<64xf32, #tpu.memory_space<hbm>>) dst(%arg13 : memref<64xf32, #tpu.memory_space<vmem>>)
      %gt3A_419 = arith.constant 0 : i32
      %gt3A_420 = arith.cmpi sgt, %scan3A_276, %gt3A_419 : i32
      %convert_element_type3A_421 = arith.extui %gt3A_420 : i1 to i32
      %cond3A_422 = arith.constant 0 : i32
      %cond3A_423 = arith.cmpi ne, %convert_element_type3A_421, %cond3A_422 : i32
      scf.if %cond3A_423 {
        %dma_wait3A_510 = arith.constant 0 : i32
        %dma_wait3A_511 = arith.constant 0 : i32
        %dma_wait3A_512 = arith.constant 0 : i32
        %dma_wait3A_513 = arith.constant 0 : i32
        %dma_wait3A_514 = tpu.memref_slice %arg17[%dma_wait3A_511, %dma_wait3A_512, %dma_wait3A_513] : memref<8x8x129xf32, #tpu.memory_space<vmem>> -> memref<8x8x128xf32, #tpu.memory_space<vmem>>
        %dma_wait3A_515 = arith.constant 0 : i32
        %dma_wait3A_516 = arith.constant 0 : i32
        %dma_wait3A_517 = arith.constant 0 : i32
        %dma_wait3A_518 = tpu.memref_slice %arg5[%dma_wait3A_510, %dma_wait3A_515, %add3A, %dma_wait3A_516, %dma_wait3A_517] : memref<200x8x32x8x128xf32, #tpu.memory_space<hbm>> -> memref<1x8x1x8x128xf32, #tpu.memory_space<hbm>>
        %dma_wait3A_519 = tpu.memref_squeeze %dma_wait3A_518 : memref<1x8x1x8x128xf32, #tpu.memory_space<hbm>> -> memref<8x8x128xf32, #tpu.memory_space<hbm>>
        %dma_wait3A_520 = arith.constant 0 : i32
        %dma_wait3A_521 = arith.constant 0 : i32
        %dma_wait3A_522 = arith.constant 0 : i32
        %dma_wait3A_523 = tpu.memref_slice %arg5[%dma_wait3A_510, %dma_wait3A_520, %add3A, %dma_wait3A_521, %dma_wait3A_522] : memref<200x8x32x8x128xf32, #tpu.memory_space<hbm>> -> memref<1x8x1x8x128xf32, #tpu.memory_space<hbm>>
        %dma_wait3A_524 = tpu.memref_squeeze %dma_wait3A_523 : memref<1x8x1x8x128xf32, #tpu.memory_space<hbm>> -> memref<8x8x128xf32, #tpu.memory_space<hbm>>
        %dma_wait3A_525 = arith.constant 0 : i32
        %dma_wait3A_526 = arith.constant 0 : i32
        %dma_wait3A_527 = arith.constant 0 : i32
        %dma_wait3A_528 = tpu.memref_slice %arg17[%dma_wait3A_525, %dma_wait3A_526, %dma_wait3A_527] : memref<8x8x129xf32, #tpu.memory_space<vmem>> -> memref<8x8x128xf32, #tpu.memory_space<vmem>>
        tpu.wait_dma2 semaphore(%arg29 : memref<!tpu.dma_semaphore, #tpu.memory_space<semaphore_mem>>) src(%dma_wait3A_528 : memref<8x8x128xf32, #tpu.memory_space<vmem>>) dst(%dma_wait3A_524 : memref<8x8x128xf32, #tpu.memory_space<hbm>>)
      } else {
      }
      %get3A_424 = arith.constant 0 : index
      %get3A_425 = tpu.vector_load %arg13[%get3A_424] {strides = array<i32>} : memref<64xf32, #tpu.memory_space<vmem>>, vector<16xf32>,
      %get3A_426 = arith.constant 16 : index
      %get3A_427 = tpu.vector_load %arg13[%get3A_426] {strides = array<i32>} : memref<64xf32, #tpu.memory_space<vmem>>, vector<16xf32>,
      %get3A_428 = arith.constant 32 : index
      %get3A_429 = tpu.vector_load %arg13[%get3A_428] {strides = array<i32>} : memref<64xf32, #tpu.memory_space<vmem>>, vector<16xf32>,
      %get3A_430 = arith.constant 48 : index
      %get3A_431 = tpu.vector_load %arg13[%get3A_430] {strides = array<i32>} : memref<64xf32, #tpu.memory_space<vmem>>, vector<16xf32>,
      %parallel_loop3A_432 = arith.constant 0 : i32
      %parallel_loop3A_433 = arith.constant 128 : i32
      %parallel_loop3A_434 = arith.constant 1 : i32
      scf.for %parallel_loop3A_510 = %parallel_loop3A_432 to %parallel_loop3A_433 step %parallel_loop3A_434  : i32 {
        %parallel_loop3A_511 = arith.constant 0 : i32
        %parallel_loop3A_512 = vector.broadcast %parallel_loop3A_511 : i32 to vector<16xi32>
        %parallel_loop3A_513 = arith.muli %iota3A, %parallel_loop3A_512 : vector<16xi32>
        %parallel_loop3A_514 = vector.broadcast %parallel_loop3A_510 : i32 to vector<16xi32>
        %parallel_loop3A_515 = arith.addi %parallel_loop3A_513, %parallel_loop3A_514 : vector<16xi32>
        %parallel_loop3A_516 = arith.index_cast %parallel_loop3A_510 : i32 to index
        %parallel_loop3A_517 = arith.constant 0 : index
        %parallel_loop3A_518 = tpu.vector_load %arg9[%parallel_loop3A_516, %parallel_loop3A_517] {strides = array<i32>} : memref<128x64xf32, #tpu.memory_space<vmem>>, vector<16xf32>,
        %parallel_loop3A_519 = arith.addf %parallel_loop3A_518, %get3A_425 : vector<16xf32>
        tpu.vector_store_idx %arg17[%select_n3A, %rem3A_136, %parallel_loop3A_515], %parallel_loop3A_519 : memref<8x8x129xf32, #tpu.memory_space<vmem>>[vector<16xi32>, vector<16xi32>, vector<16xi32>], vector<16xf32>,
        %parallel_loop3A_520 = arith.index_cast %parallel_loop3A_510 : i32 to index
        %parallel_loop3A_521 = arith.constant 16 : index
        %parallel_loop3A_522 = tpu.vector_load %arg9[%parallel_loop3A_520, %parallel_loop3A_521] {strides = array<i32>} : memref<128x64xf32, #tpu.memory_space<vmem>>, vector<16xf32>,
        %parallel_loop3A_523 = arith.addf %parallel_loop3A_522, %get3A_427 : vector<16xf32>
        tpu.vector_store_idx %arg17[%select_n3A_62, %rem3A_142, %parallel_loop3A_515], %parallel_loop3A_523 : memref<8x8x129xf32, #tpu.memory_space<vmem>>[vector<16xi32>, vector<16xi32>, vector<16xi32>], vector<16xf32>,
        %parallel_loop3A_524 = arith.index_cast %parallel_loop3A_510 : i32 to index
        %parallel_loop3A_525 = arith.constant 32 : index
        %parallel_loop3A_526 = tpu.vector_load %arg9[%parallel_loop3A_524, %parallel_loop3A_525] {strides = array<i32>} : memref<128x64xf32, #tpu.memory_space<vmem>>, vector<16xf32>,
        %parallel_loop3A_527 = arith.addf %parallel_loop3A_526, %get3A_429 : vector<16xf32>
        tpu.vector_store_idx %arg17[%select_n3A_96, %rem3A_148, %parallel_loop3A_515], %parallel_loop3A_527 : memref<8x8x129xf32, #tpu.memory_space<vmem>>[vector<16xi32>, vector<16xi32>, vector<16xi32>], vector<16xf32>,
        %parallel_loop3A_528 = arith.index_cast %parallel_loop3A_510 : i32 to index
        %parallel_loop3A_529 = arith.constant 48 : index
        %parallel_loop3A_530 = tpu.vector_load %arg9[%parallel_loop3A_528, %parallel_loop3A_529] {strides = array<i32>} : memref<128x64xf32, #tpu.memory_space<vmem>>, vector<16xf32>,
        %parallel_loop3A_531 = arith.addf %parallel_loop3A_530, %get3A_431 : vector<16xf32>
        tpu.vector_store_idx %arg17[%select_n3A_130, %rem3A_154, %parallel_loop3A_515], %parallel_loop3A_531 : memref<8x8x129xf32, #tpu.memory_space<vmem>>[vector<16xi32>, vector<16xi32>, vector<16xi32>], vector<16xf32>,
      } {sc.loop_unroll_factor = 4 : i64, sc.parallel_access}
      %dma_start3A_435 = arith.constant 0 : i32
      %dma_start3A_436 = arith.constant 0 : i32
      %dma_start3A_437 = arith.constant 0 : i32
      %dma_start3A_438 = tpu.memref_slice %arg17[%dma_start3A_435, %dma_start3A_436, %dma_start3A_437] : memref<8x8x129xf32, #tpu.memory_space<vmem>> -> memref<8x8x128xf32, #tpu.memory_space<vmem>>
      %dma_start3A_439 = arith.constant 0 : i32
      %dma_start3A_440 = arith.constant 0 : i32
      %dma_start3A_441 = arith.constant 0 : i32
      %dma_start3A_442 = tpu.memref_slice %arg5[%add3A_399, %dma_start3A_439, %add3A, %dma_start3A_440, %dma_start3A_441] : memref<200x8x32x8x128xf32, #tpu.memory_space<hbm>> -> memref<1x8x1x8x128xf32, #tpu.memory_space<hbm>>
      %dma_start3A_443 = tpu.memref_squeeze %dma_start3A_442 : memref<1x8x1x8x128xf32, #tpu.memory_space<hbm>> -> memref<8x8x128xf32, #tpu.memory_space<hbm>>
      %dma_start3A_444 = arith.constant 0 : i32
      %dma_start3A_445 = arith.constant 0 : i32
      %dma_start3A_446 = arith.constant 0 : i32
      %dma_start3A_447 = tpu.memref_slice %arg5[%add3A_399, %dma_start3A_444, %add3A, %dma_start3A_445, %dma_start3A_446] : memref<200x8x32x8x128xf32, #tpu.memory_space<hbm>> -> memref<1x8x1x8x128xf32, #tpu.memory_space<hbm>>
      %dma_start3A_448 = tpu.memref_squeeze %dma_start3A_447 : memref<1x8x1x8x128xf32, #tpu.memory_space<hbm>> -> memref<8x8x128xf32, #tpu.memory_space<hbm>>
      %dma_start3A_449 = arith.constant 0 : i32
      %dma_start3A_450 = arith.constant 0 : i32
      %dma_start3A_451 = arith.constant 0 : i32
      %dma_start3A_452 = tpu.memref_slice %arg17[%dma_start3A_449, %dma_start3A_450, %dma_start3A_451] : memref<8x8x129xf32, #tpu.memory_space<vmem>> -> memref<8x8x128xf32, #tpu.memory_space<vmem>>
      tpu.enqueue_dma source(%dma_start3A_452 : memref<8x8x128xf32, #tpu.memory_space<vmem>>) target(%dma_start3A_448 : memref<8x8x128xf32, #tpu.memory_space<hbm>>) target_semaphore(%arg29 : memref<!tpu.dma_semaphore, #tpu.memory_space<semaphore_mem>>)
      %mul3A_453 = arith.constant 4 : i32
      %mul3A_454 = arith.muli %scan3A_276, %mul3A_453 : i32
      %add3A_455 = arith.constant 3 : i32
      %add3A_456 = arith.addi %mul3A_454, %add3A_455 : i32
      %lt3A_457 = arith.constant 49 : i32
      %lt3A_458 = arith.cmpi slt, %scan3A_276, %lt3A_457 : i32
      %convert_element_type3A_459 = arith.extui %lt3A_458 : i1 to i32
      %cond3A_460 = arith.constant 0 : i32
      %cond3A_461 = arith.cmpi ne, %convert_element_type3A_459, %cond3A_460 : i32
      scf.if %cond3A_461 {
        %add3A_510 = arith.constant 3 : i32
        %add3A_511 = arith.addi %add3A_456, %add3A_510 : i32
        %dma_start3A_512 = arith.constant 0 : i32
        %dma_start3A_513 = tpu.memref_slice %arg6[%add3A_511, %dma_start3A_512] : memref<200x128xi32, #tpu.memory_space<vmem>> -> memref<1x128xi32, #tpu.memory_space<vmem>>
        %dma_start3A_514 = tpu.memref_squeeze %dma_start3A_513 : memref<1x128xi32, #tpu.memory_space<vmem>> -> memref<128xi32, #tpu.memory_space<vmem>>
        %dma_start3A_515 = arith.constant 0 : i32
        %dma_start3A_516 = arith.constant 0 : i32
        %dma_start3A_517 = tpu.memref_slice %arg4[%dma_start3A_515, %dma_start3A_516] : memref<2000000x64xf32, #tpu.memory_space<hbm>> -> memref<2000000x64xf32, #tpu.memory_space<hbm>>
        tpu.enqueue_indirect_dma source(%dma_start3A_517 : memref<2000000x64xf32, #tpu.memory_space<hbm>>) target(%arg9 : memref<128x64xf32, #tpu.memory_space<vmem>>) offsets(%dma_start3A_514 : memref<128xi32, #tpu.memory_space<vmem>>) semaphore(%arg21 : memref<!tpu.dma_semaphore, #tpu.memory_space<semaphore_mem>>)
        %add3A_518 = arith.constant 3 : i32
        %add3A_519 = arith.addi %add3A_456, %add3A_518 : i32
        %dma_start3A_520 = arith.constant 0 : i32
        %dma_start3A_521 = tpu.memref_slice %arg3[%add3A_519, %dma_start3A_520] : memref<200x64xf32, #tpu.memory_space<hbm>> -> memref<1x64xf32, #tpu.memory_space<hbm>>
        %dma_start3A_522 = tpu.memref_squeeze %dma_start3A_521 : memref<1x64xf32, #tpu.memory_space<hbm>> -> memref<64xf32, #tpu.memory_space<hbm>>
        %dma_start3A_523 = arith.constant 0 : i32
        %dma_start3A_524 = tpu.memref_slice %arg3[%add3A_519, %dma_start3A_523] : memref<200x64xf32, #tpu.memory_space<hbm>> -> memref<1x64xf32, #tpu.memory_space<hbm>>
        %dma_start3A_525 = tpu.memref_squeeze %dma_start3A_524 : memref<1x64xf32, #tpu.memory_space<hbm>> -> memref<64xf32, #tpu.memory_space<hbm>>
        tpu.enqueue_dma source(%dma_start3A_525 : memref<64xf32, #tpu.memory_space<hbm>>) target(%arg13 : memref<64xf32, #tpu.memory_space<vmem>>) target_semaphore(%arg25 : memref<!tpu.dma_semaphore, #tpu.memory_space<semaphore_mem>>)
      } else {
      }
      %dma_wait3A_462 = arith.constant 0 : i32
      %dma_wait3A_463 = arith.constant 0 : i32
      %dma_wait3A_464 = tpu.memref_slice %arg6[%dma_wait3A_462, %dma_wait3A_463] : memref<200x128xi32, #tpu.memory_space<vmem>> -> memref<1x128xi32, #tpu.memory_space<vmem>>
      %dma_wait3A_465 = tpu.memref_squeeze %dma_wait3A_464 : memref<1x128xi32, #tpu.memory_space<vmem>> -> memref<128xi32, #tpu.memory_space<vmem>>
      %dma_wait3A_466 = arith.constant 0 : i32
      %dma_wait3A_467 = arith.constant 0 : i32
      %dma_wait3A_468 = tpu.memref_slice %arg4[%dma_wait3A_466, %dma_wait3A_467] : memref<2000000x64xf32, #tpu.memory_space<hbm>> -> memref<2000000x64xf32, #tpu.memory_space<hbm>>
      tpu.wait_indirect_dma semaphore(%arg22 : memref<!tpu.dma_semaphore, #tpu.memory_space<semaphore_mem>>) src(%dma_wait3A_468 : memref<2000000x64xf32, #tpu.memory_space<hbm>>) dst(%arg10 : memref<128x64xf32, #tpu.memory_space<vmem>>)
      %dma_wait3A_469 = arith.constant 0 : i32
      %dma_wait3A_470 = arith.constant 0 : i32
      %dma_wait3A_471 = tpu.memref_slice %arg3[%dma_wait3A_469, %dma_wait3A_470] : memref<200x64xf32, #tpu.memory_space<hbm>> -> memref<1x64xf32, #tpu.memory_space<hbm>>
      %dma_wait3A_472 = tpu.memref_squeeze %dma_wait3A_471 : memref<1x64xf32, #tpu.memory_space<hbm>> -> memref<64xf32, #tpu.memory_space<hbm>>
      %dma_wait3A_473 = arith.constant 0 : i32
      %dma_wait3A_474 = tpu.memref_slice %arg3[%dma_wait3A_469, %dma_wait3A_473] : memref<200x64xf32, #tpu.memory_space<hbm>> -> memref<1x64xf32, #tpu.memory_space<hbm>>
      %dma_wait3A_475 = tpu.memref_squeeze %dma_wait3A_474 : memref<1x64xf32, #tpu.memory_space<hbm>> -> memref<64xf32, #tpu.memory_space<hbm>>
      tpu.wait_dma2 semaphore(%arg26 : memref<!tpu.dma_semaphore, #tpu.memory_space<semaphore_mem>>) src(%dma_wait3A_475 : memref<64xf32, #tpu.memory_space<hbm>>) dst(%arg14 : memref<64xf32, #tpu.memory_space<vmem>>)
      %gt3A_476 = arith.constant 0 : i32
      %gt3A_477 = arith.cmpi sgt, %scan3A_276, %gt3A_476 : i32
      %convert_element_type3A_478 = arith.extui %gt3A_477 : i1 to i32
      %cond3A_479 = arith.constant 0 : i32
      %cond3A_480 = arith.cmpi ne, %convert_element_type3A_478, %cond3A_479 : i32
      scf.if %cond3A_480 {
        %dma_wait3A_510 = arith.constant 0 : i32
        %dma_wait3A_511 = arith.constant 0 : i32
        %dma_wait3A_512 = arith.constant 0 : i32
        %dma_wait3A_513 = arith.constant 0 : i32
        %dma_wait3A_514 = tpu.memref_slice %arg18[%dma_wait3A_511, %dma_wait3A_512, %dma_wait3A_513] : memref<8x8x129xf32, #tpu.memory_space<vmem>> -> memref<8x8x128xf32, #tpu.memory_space<vmem>>
        %dma_wait3A_515 = arith.constant 0 : i32
        %dma_wait3A_516 = arith.constant 0 : i32
        %dma_wait3A_517 = arith.constant 0 : i32
        %dma_wait3A_518 = tpu.memref_slice %arg5[%dma_wait3A_510, %dma_wait3A_515, %add3A, %dma_wait3A_516, %dma_wait3A_517] : memref<200x8x32x8x128xf32, #tpu.memory_space<hbm>> -> memref<1x8x1x8x128xf32, #tpu.memory_space<hbm>>
        %dma_wait3A_519 = tpu.memref_squeeze %dma_wait3A_518 : memref<1x8x1x8x128xf32, #tpu.memory_space<hbm>> -> memref<8x8x128xf32, #tpu.memory_space<hbm>>
        %dma_wait3A_520 = arith.constant 0 : i32
        %dma_wait3A_521 = arith.constant 0 : i32
        %dma_wait3A_522 = arith.constant 0 : i32
        %dma_wait3A_523 = tpu.memref_slice %arg5[%dma_wait3A_510, %dma_wait3A_520, %add3A, %dma_wait3A_521, %dma_wait3A_522] : memref<200x8x32x8x128xf32, #tpu.memory_space<hbm>> -> memref<1x8x1x8x128xf32, #tpu.memory_space<hbm>>
        %dma_wait3A_524 = tpu.memref_squeeze %dma_wait3A_523 : memref<1x8x1x8x128xf32, #tpu.memory_space<hbm>> -> memref<8x8x128xf32, #tpu.memory_space<hbm>>
        %dma_wait3A_525 = arith.constant 0 : i32
        %dma_wait3A_526 = arith.constant 0 : i32
        %dma_wait3A_527 = arith.constant 0 : i32
        %dma_wait3A_528 = tpu.memref_slice %arg18[%dma_wait3A_525, %dma_wait3A_526, %dma_wait3A_527] : memref<8x8x129xf32, #tpu.memory_space<vmem>> -> memref<8x8x128xf32, #tpu.memory_space<vmem>>
        tpu.wait_dma2 semaphore(%arg30 : memref<!tpu.dma_semaphore, #tpu.memory_space<semaphore_mem>>) src(%dma_wait3A_528 : memref<8x8x128xf32, #tpu.memory_space<vmem>>) dst(%dma_wait3A_524 : memref<8x8x128xf32, #tpu.memory_space<hbm>>)
      } else {
      }
      %get3A_481 = arith.constant 0 : index
      %get3A_482 = tpu.vector_load %arg14[%get3A_481] {strides = array<i32>} : memref<64xf32, #tpu.memory_space<vmem>>, vector<16xf32>,
      %get3A_483 = arith.constant 16 : index
      %get3A_484 = tpu.vector_load %arg14[%get3A_483] {strides = array<i32>} : memref<64xf32, #tpu.memory_space<vmem>>, vector<16xf32>,
      %get3A_485 = arith.constant 32 : index
      %get3A_486 = tpu.vector_load %arg14[%get3A_485] {strides = array<i32>} : memref<64xf32, #tpu.memory_space<vmem>>, vector<16xf32>,
      %get3A_487 = arith.constant 48 : index
      %get3A_488 = tpu.vector_load %arg14[%get3A_487] {strides = array<i32>} : memref<64xf32, #tpu.memory_space<vmem>>, vector<16xf32>,
      %parallel_loop3A_489 = arith.constant 0 : i32
      %parallel_loop3A_490 = arith.constant 128 : i32
      %parallel_loop3A_491 = arith.constant 1 : i32
      scf.for %parallel_loop3A_510 = %parallel_loop3A_489 to %parallel_loop3A_490 step %parallel_loop3A_491  : i32 {
        %parallel_loop3A_511 = arith.constant 0 : i32
        %parallel_loop3A_512 = vector.broadcast %parallel_loop3A_511 : i32 to vector<16xi32>
        %parallel_loop3A_513 = arith.muli %iota3A, %parallel_loop3A_512 : vector<16xi32>
        %parallel_loop3A_514 = vector.broadcast %parallel_loop3A_510 : i32 to vector<16xi32>
        %parallel_loop3A_515 = arith.addi %parallel_loop3A_513, %parallel_loop3A_514 : vector<16xi32>
        %parallel_loop3A_516 = arith.index_cast %parallel_loop3A_510 : i32 to index
        %parallel_loop3A_517 = arith.constant 0 : index
        %parallel_loop3A_518 = tpu.vector_load %arg10[%parallel_loop3A_516, %parallel_loop3A_517] {strides = array<i32>} : memref<128x64xf32, #tpu.memory_space<vmem>>, vector<16xf32>,
        %parallel_loop3A_519 = arith.addf %parallel_loop3A_518, %get3A_482 : vector<16xf32>
        tpu.vector_store_idx %arg18[%select_n3A, %rem3A_136, %parallel_loop3A_515], %parallel_loop3A_519 : memref<8x8x129xf32, #tpu.memory_space<vmem>>[vector<16xi32>, vector<16xi32>, vector<16xi32>], vector<16xf32>,
        %parallel_loop3A_520 = arith.index_cast %parallel_loop3A_510 : i32 to index
        %parallel_loop3A_521 = arith.constant 16 : index
        %parallel_loop3A_522 = tpu.vector_load %arg10[%parallel_loop3A_520, %parallel_loop3A_521] {strides = array<i32>} : memref<128x64xf32, #tpu.memory_space<vmem>>, vector<16xf32>,
        %parallel_loop3A_523 = arith.addf %parallel_loop3A_522, %get3A_484 : vector<16xf32>
        tpu.vector_store_idx %arg18[%select_n3A_62, %rem3A_142, %parallel_loop3A_515], %parallel_loop3A_523 : memref<8x8x129xf32, #tpu.memory_space<vmem>>[vector<16xi32>, vector<16xi32>, vector<16xi32>], vector<16xf32>,
        %parallel_loop3A_524 = arith.index_cast %parallel_loop3A_510 : i32 to index
        %parallel_loop3A_525 = arith.constant 32 : index
        %parallel_loop3A_526 = tpu.vector_load %arg10[%parallel_loop3A_524, %parallel_loop3A_525] {strides = array<i32>} : memref<128x64xf32, #tpu.memory_space<vmem>>, vector<16xf32>,
        %parallel_loop3A_527 = arith.addf %parallel_loop3A_526, %get3A_486 : vector<16xf32>
        tpu.vector_store_idx %arg18[%select_n3A_96, %rem3A_148, %parallel_loop3A_515], %parallel_loop3A_527 : memref<8x8x129xf32, #tpu.memory_space<vmem>>[vector<16xi32>, vector<16xi32>, vector<16xi32>], vector<16xf32>,
        %parallel_loop3A_528 = arith.index_cast %parallel_loop3A_510 : i32 to index
        %parallel_loop3A_529 = arith.constant 48 : index
        %parallel_loop3A_530 = tpu.vector_load %arg10[%parallel_loop3A_528, %parallel_loop3A_529] {strides = array<i32>} : memref<128x64xf32, #tpu.memory_space<vmem>>, vector<16xf32>,
        %parallel_loop3A_531 = arith.addf %parallel_loop3A_530, %get3A_488 : vector<16xf32>
        tpu.vector_store_idx %arg18[%select_n3A_130, %rem3A_154, %parallel_loop3A_515], %parallel_loop3A_531 : memref<8x8x129xf32, #tpu.memory_space<vmem>>[vector<16xi32>, vector<16xi32>, vector<16xi32>], vector<16xf32>,
      } {sc.loop_unroll_factor = 4 : i64, sc.parallel_access}
      %dma_start3A_492 = arith.constant 0 : i32
      %dma_start3A_493 = arith.constant 0 : i32
      %dma_start3A_494 = arith.constant 0 : i32
      %dma_start3A_495 = tpu.memref_slice %arg18[%dma_start3A_492, %dma_start3A_493, %dma_start3A_494] : memref<8x8x129xf32, #tpu.memory_space<vmem>> -> memref<8x8x128xf32, #tpu.memory_space<vmem>>
      %dma_start3A_496 = arith.constant 0 : i32
      %dma_start3A_497 = arith.constant 0 : i32
      %dma_start3A_498 = arith.constant 0 : i32
      %dma_start3A_499 = tpu.memref_slice %arg5[%add3A_456, %dma_start3A_496, %add3A, %dma_start3A_497, %dma_start3A_498] : memref<200x8x32x8x128xf32, #tpu.memory_space<hbm>> -> memref<1x8x1x8x128xf32, #tpu.memory_space<hbm>>
      %dma_start3A_500 = tpu.memref_squeeze %dma_start3A_499 : memref<1x8x1x8x128xf32, #tpu.memory_space<hbm>> -> memref<8x8x128xf32, #tpu.memory_space<hbm>>
      %dma_start3A_501 = arith.constant 0 : i32
      %dma_start3A_502 = arith.constant 0 : i32
      %dma_start3A_503 = arith.constant 0 : i32
      %dma_start3A_504 = tpu.memref_slice %arg5[%add3A_456, %dma_start3A_501, %add3A, %dma_start3A_502, %dma_start3A_503] : memref<200x8x32x8x128xf32, #tpu.memory_space<hbm>> -> memref<1x8x1x8x128xf32, #tpu.memory_space<hbm>>
      %dma_start3A_505 = tpu.memref_squeeze %dma_start3A_504 : memref<1x8x1x8x128xf32, #tpu.memory_space<hbm>> -> memref<8x8x128xf32, #tpu.memory_space<hbm>>
      %dma_start3A_506 = arith.constant 0 : i32
      %dma_start3A_507 = arith.constant 0 : i32
      %dma_start3A_508 = arith.constant 0 : i32
      %dma_start3A_509 = tpu.memref_slice %arg18[%dma_start3A_506, %dma_start3A_507, %dma_start3A_508] : memref<8x8x129xf32, #tpu.memory_space<vmem>> -> memref<8x8x128xf32, #tpu.memory_space<vmem>>
      tpu.enqueue_dma source(%dma_start3A_509 : memref<8x8x128xf32, #tpu.memory_space<vmem>>) target(%dma_start3A_505 : memref<8x8x128xf32, #tpu.memory_space<hbm>>) target_semaphore(%arg30 : memref<!tpu.dma_semaphore, #tpu.memory_space<semaphore_mem>>)
    }
    %scan3A_200 = arith.constant 50 : i32
    %dma_wait3A = arith.constant 0 : i32
    %dma_wait3A_201 = arith.constant 0 : i32
    %dma_wait3A_202 = arith.constant 0 : i32
    %dma_wait3A_203 = arith.constant 0 : i32
    %dma_wait3A_204 = tpu.memref_slice %arg15[%dma_wait3A_201, %dma_wait3A_202, %dma_wait3A_203] : memref<8x8x129xf32, #tpu.memory_space<vmem>> -> memref<8x8x128xf32, #tpu.memory_space<vmem>>
    %dma_wait3A_205 = arith.constant 0 : i32
    %dma_wait3A_206 = arith.constant 0 : i32
    %dma_wait3A_207 = arith.constant 0 : i32
    %dma_wait3A_208 = tpu.memref_slice %arg5[%dma_wait3A, %dma_wait3A_205, %add3A, %dma_wait3A_206, %dma_wait3A_207] : memref<200x8x32x8x128xf32, #tpu.memory_space<hbm>> -> memref<1x8x1x8x128xf32, #tpu.memory_space<hbm>>
    %dma_wait3A_209 = tpu.memref_squeeze %dma_wait3A_208 : memref<1x8x1x8x128xf32, #tpu.memory_space<hbm>> -> memref<8x8x128xf32, #tpu.memory_space<hbm>>
    %dma_wait3A_210 = arith.constant 0 : i32
    %dma_wait3A_211 = arith.constant 0 : i32
    %dma_wait3A_212 = arith.constant 0 : i32
    %dma_wait3A_213 = tpu.memref_slice %arg5[%dma_wait3A, %dma_wait3A_210, %add3A, %dma_wait3A_211, %dma_wait3A_212] : memref<200x8x32x8x128xf32, #tpu.memory_space<hbm>> -> memref<1x8x1x8x128xf32, #tpu.memory_space<hbm>>
    %dma_wait3A_214 = tpu.memref_squeeze %dma_wait3A_213 : memref<1x8x1x8x128xf32, #tpu.memory_space<hbm>> -> memref<8x8x128xf32, #tpu.memory_space<hbm>>
    %dma_wait3A_215 = arith.constant 0 : i32
    %dma_wait3A_216 = arith.constant 0 : i32
    %dma_wait3A_217 = arith.constant 0 : i32
    %dma_wait3A_218 = tpu.memref_slice %arg15[%dma_wait3A_215, %dma_wait3A_216, %dma_wait3A_217] : memref<8x8x129xf32, #tpu.memory_space<vmem>> -> memref<8x8x128xf32, #tpu.memory_space<vmem>>
    tpu.wait_dma2 semaphore(%arg27 : memref<!tpu.dma_semaphore, #tpu.memory_space<semaphore_mem>>) src(%dma_wait3A_218 : memref<8x8x128xf32, #tpu.memory_space<vmem>>) dst(%dma_wait3A_214 : memref<8x8x128xf32, #tpu.memory_space<hbm>>)
    %dma_wait3A_219 = arith.constant 0 : i32
    %dma_wait3A_220 = arith.constant 0 : i32
    %dma_wait3A_221 = arith.constant 0 : i32
    %dma_wait3A_222 = arith.constant 0 : i32
    %dma_wait3A_223 = tpu.memref_slice %arg16[%dma_wait3A_220, %dma_wait3A_221, %dma_wait3A_222] : memref<8x8x129xf32, #tpu.memory_space<vmem>> -> memref<8x8x128xf32, #tpu.memory_space<vmem>>
    %dma_wait3A_224 = arith.constant 0 : i32
    %dma_wait3A_225 = arith.constant 0 : i32
    %dma_wait3A_226 = arith.constant 0 : i32
    %dma_wait3A_227 = tpu.memref_slice %arg5[%dma_wait3A_219, %dma_wait3A_224, %add3A, %dma_wait3A_225, %dma_wait3A_226] : memref<200x8x32x8x128xf32, #tpu.memory_space<hbm>> -> memref<1x8x1x8x128xf32, #tpu.memory_space<hbm>>
    %dma_wait3A_228 = tpu.memref_squeeze %dma_wait3A_227 : memref<1x8x1x8x128xf32, #tpu.memory_space<hbm>> -> memref<8x8x128xf32, #tpu.memory_space<hbm>>
    %dma_wait3A_229 = arith.constant 0 : i32
    %dma_wait3A_230 = arith.constant 0 : i32
    %dma_wait3A_231 = arith.constant 0 : i32
    %dma_wait3A_232 = tpu.memref_slice %arg5[%dma_wait3A_219, %dma_wait3A_229, %add3A, %dma_wait3A_230, %dma_wait3A_231] : memref<200x8x32x8x128xf32, #tpu.memory_space<hbm>> -> memref<1x8x1x8x128xf32, #tpu.memory_space<hbm>>
    %dma_wait3A_233 = tpu.memref_squeeze %dma_wait3A_232 : memref<1x8x1x8x128xf32, #tpu.memory_space<hbm>> -> memref<8x8x128xf32, #tpu.memory_space<hbm>>
    %dma_wait3A_234 = arith.constant 0 : i32
    %dma_wait3A_235 = arith.constant 0 : i32
    %dma_wait3A_236 = arith.constant 0 : i32
    %dma_wait3A_237 = tpu.memref_slice %arg16[%dma_wait3A_234, %dma_wait3A_235, %dma_wait3A_236] : memref<8x8x129xf32, #tpu.memory_space<vmem>> -> memref<8x8x128xf32, #tpu.memory_space<vmem>>
    tpu.wait_dma2 semaphore(%arg28 : memref<!tpu.dma_semaphore, #tpu.memory_space<semaphore_mem>>) src(%dma_wait3A_237 : memref<8x8x128xf32, #tpu.memory_space<vmem>>) dst(%dma_wait3A_233 : memref<8x8x128xf32, #tpu.memory_space<hbm>>)
    %dma_wait3A_238 = arith.constant 0 : i32
    %dma_wait3A_239 = arith.constant 0 : i32
    %dma_wait3A_240 = arith.constant 0 : i32
    %dma_wait3A_241 = arith.constant 0 : i32
    %dma_wait3A_242 = tpu.memref_slice %arg17[%dma_wait3A_239, %dma_wait3A_240, %dma_wait3A_241] : memref<8x8x129xf32, #tpu.memory_space<vmem>> -> memref<8x8x128xf32, #tpu.memory_space<vmem>>
    %dma_wait3A_243 = arith.constant 0 : i32
    %dma_wait3A_244 = arith.constant 0 : i32
    %dma_wait3A_245 = arith.constant 0 : i32
    %dma_wait3A_246 = tpu.memref_slice %arg5[%dma_wait3A_238, %dma_wait3A_243, %add3A, %dma_wait3A_244, %dma_wait3A_245] : memref<200x8x32x8x128xf32, #tpu.memory_space<hbm>> -> memref<1x8x1x8x128xf32, #tpu.memory_space<hbm>>
    %dma_wait3A_247 = tpu.memref_squeeze %dma_wait3A_246 : memref<1x8x1x8x128xf32, #tpu.memory_space<hbm>> -> memref<8x8x128xf32, #tpu.memory_space<hbm>>
    %dma_wait3A_248 = arith.constant 0 : i32
    %dma_wait3A_249 = arith.constant 0 : i32
    %dma_wait3A_250 = arith.constant 0 : i32
    %dma_wait3A_251 = tpu.memref_slice %arg5[%dma_wait3A_238, %dma_wait3A_248, %add3A, %dma_wait3A_249, %dma_wait3A_250] : memref<200x8x32x8x128xf32, #tpu.memory_space<hbm>> -> memref<1x8x1x8x128xf32, #tpu.memory_space<hbm>>
    %dma_wait3A_252 = tpu.memref_squeeze %dma_wait3A_251 : memref<1x8x1x8x128xf32, #tpu.memory_space<hbm>> -> memref<8x8x128xf32, #tpu.memory_space<hbm>>
    %dma_wait3A_253 = arith.constant 0 : i32
    %dma_wait3A_254 = arith.constant 0 : i32
    %dma_wait3A_255 = arith.constant 0 : i32
    %dma_wait3A_256 = tpu.memref_slice %arg17[%dma_wait3A_253, %dma_wait3A_254, %dma_wait3A_255] : memref<8x8x129xf32, #tpu.memory_space<vmem>> -> memref<8x8x128xf32, #tpu.memory_space<vmem>>
    tpu.wait_dma2 semaphore(%arg29 : memref<!tpu.dma_semaphore, #tpu.memory_space<semaphore_mem>>) src(%dma_wait3A_256 : memref<8x8x128xf32, #tpu.memory_space<vmem>>) dst(%dma_wait3A_252 : memref<8x8x128xf32, #tpu.memory_space<hbm>>)
    %dma_wait3A_257 = arith.constant 0 : i32
    %dma_wait3A_258 = arith.constant 0 : i32
    %dma_wait3A_259 = arith.constant 0 : i32
    %dma_wait3A_260 = arith.constant 0 : i32
    %dma_wait3A_261 = tpu.memref_slice %arg18[%dma_wait3A_258, %dma_wait3A_259, %dma_wait3A_260] : memref<8x8x129xf32, #tpu.memory_space<vmem>> -> memref<8x8x128xf32, #tpu.memory_space<vmem>>
    %dma_wait3A_262 = arith.constant 0 : i32
    %dma_wait3A_263 = arith.constant 0 : i32
    %dma_wait3A_264 = arith.constant 0 : i32
    %dma_wait3A_265 = tpu.memref_slice %arg5[%dma_wait3A_257, %dma_wait3A_262, %add3A, %dma_wait3A_263, %dma_wait3A_264] : memref<200x8x32x8x128xf32, #tpu.memory_space<hbm>> -> memref<1x8x1x8x128xf32, #tpu.memory_space<hbm>>
    %dma_wait3A_266 = tpu.memref_squeeze %dma_wait3A_265 : memref<1x8x1x8x128xf32, #tpu.memory_space<hbm>> -> memref<8x8x128xf32, #tpu.memory_space<hbm>>
    %dma_wait3A_267 = arith.constant 0 : i32
    %dma_wait3A_268 = arith.constant 0 : i32
    %dma_wait3A_269 = arith.constant 0 : i32
    %dma_wait3A_270 = tpu.memref_slice %arg5[%dma_wait3A_257, %dma_wait3A_267, %add3A, %dma_wait3A_268, %dma_wait3A_269] : memref<200x8x32x8x128xf32, #tpu.memory_space<hbm>> -> memref<1x8x1x8x128xf32, #tpu.memory_space<hbm>>
    %dma_wait3A_271 = tpu.memref_squeeze %dma_wait3A_270 : memref<1x8x1x8x128xf32, #tpu.memory_space<hbm>> -> memref<8x8x128xf32, #tpu.memory_space<hbm>>
    %dma_wait3A_272 = arith.constant 0 : i32
    %dma_wait3A_273 = arith.constant 0 : i32
    %dma_wait3A_274 = arith.constant 0 : i32
    %dma_wait3A_275 = tpu.memref_slice %arg18[%dma_wait3A_272, %dma_wait3A_273, %dma_wait3A_274] : memref<8x8x129xf32, #tpu.memory_space<vmem>> -> memref<8x8x128xf32, #tpu.memory_space<vmem>>
    tpu.wait_dma2 semaphore(%arg30 : memref<!tpu.dma_semaphore, #tpu.memory_space<semaphore_mem>>) src(%dma_wait3A_275 : memref<8x8x128xf32, #tpu.memory_space<vmem>>) dst(%dma_wait3A_271 : memref<8x8x128xf32, #tpu.memory_space<hbm>>)
    return
  }
}

module attributes {stable_mosaic.version = 14 : i64} {
  func.func @_tp_body(%arg0: i32, %arg1: memref<64x16384xf32, #tpu.memory_space<vmem>>, %arg2: memref<16384x128xf32, #tpu.memory_space<vmem>>) attributes {dimension_semantics = [#tpu.dimension_semantics<arbitrary>], iteration_bounds = array<i64: 62>, scalar_prefetch = 0 : i64, scratch_operands = 0 : i64, tpu.core_type = #tpu.core_type<tc>, window_params = [{transform_indices = @transform_0, window_bounds = array<i64: 64, 16384>}, {transform_indices = @transform_1, window_bounds = array<i64: 16384, 128>}]} {
    %get3A = arith.constant 0 : index
    %get3A_0 = arith.constant 0 : index
    %get3A_1 = vector.load %arg1[%get3A, %get3A_0] : memref<64x16384xf32, #tpu.memory_space<vmem>>, vector<64x16384xf32>
    %transpose3A = tpu.transpose %get3A_1, [1, 0] : vector<64x16384xf32> -> vector<16384x64xf32>
    %swap3A = arith.constant 0 : index
    %swap3A_2 = arith.constant 0 : index
    %swap3A_3 = vector.load %arg2[%swap3A, %swap3A_2] : memref<16384x128xf32, #tpu.memory_space<vmem>>, vector<16384x64xf32>
    tpu.vector_store %arg2[%swap3A, %swap3A_2], %transpose3A {strides = array<i32>} : memref<16384x128xf32, #tpu.memory_space<vmem>>, vector<16384x64xf32>,
    return
  }
  func.func @transform_0(%arg0: i32) -> (i32, i32) {
    %c0_i32 = arith.constant 0 : i32
    %c0_i32_0 = arith.constant 0 : i32
    return %c0_i32, %arg0 : i32, i32
  }
  func.func @transform_1(%arg0: i32) -> (i32, i32) {
    %c0_i32 = arith.constant 0 : i32
    %c0_i32_0 = arith.constant 0 : i32
    return %arg0, %c0_i32 : i32, i32
  }
}

</mosaic_0001>

<sc_bundles>
// kernel: kernel.4.cloned.1.call-start
scs
__scs_entry_jumppad:
0x0: {  	(pc) =	sbr.rel $0x88, $3  }
0x1: {  	(tag) =	ssettag $0x0;
	lr =	simm.s32 $0x1  }
0x2: {  	[smem:$0x3F9F] =	sst lr;
	_ =	strace $0xD0000000  }
0x3: {  	_ = 	snop  }
0x4: {  	_ = 	snop  }
0x5: {  	_ = 	snop  }
0x6: {  	_ = 	snop  }
0x7: {  	_ = 	snop  }
__scs_overlays_trampoline_lowered:
0x8: {  	[smem:$0x3FAE] =	sst s0  }
0x9: {  	[smem:$0x3FAF] =	sst s1  }
0xa: {  	[smem:$0x3FB0] =	sst s2  }
0xb: {  	[smem:$0x3FB1] =	sst s3  }
0xc: {  	[smem:$0x3FB2] =	sst s4  }
0xd: {  	[smem:$0x3FB3] =	sst s5  }
0xe: {  	[smem:$0x3FB4] =	sst s6  }
0xf: {  	[smem:$0x3FB5] =	sst s7  }
0x10: {  	[smem:$0x3FB6] =	sst s8  }
0x11: {  	[smem:$0x3FB7] =	sst s9;
	s0 =	simm.s32 @!p0 $0x0  }
0x12: {  	s1 =	sld [smem:$0x3F9D];
	s0 =	simm.s32 @p0 $0x1  }
0x13: {  	[smem:$0x3FB8] =	sst s0;
	s0 =	simm.s32 @!p1 $0x0  }
0x14: {  	s2 =	sld [smem:$0x3F9C];
	s0 =	simm.s32 @p1 $0x1  }
0x15: {  	[smem:$0x3FB9] =	sst s0;
	s0 =	simm.s32 @!p2 $0x0  }
0x16: {  	s3 =	sld [smem:$0x3FDB];
	s0 =	simm.s32 @p2 $0x1  }
0x17: {  	s4 =	simm.s32 $0x1BF5;
	[smem:$0x3FBB] =	sst s0  }
0x18: {  	s0 =	sld [smem:$0x3F9E];
	_ =	swait.ge [sflag:s4], $0x0  }
0x19: {  	s7 =	sld [smem:$0x3F9F]  }
0x1a: {  	s8 =	sadd.s32 $0xFFFFE003, lr  }
0x1b: {  	s9 =	sadd.s32 $0xFFFFFEF7, lr;
	s5 =	simm.s32 $0xFFFFFFFF;
	p2 =	slt.u32 s8, $0xFFFFF086  }
0x1c: {  	p1 =	slt.u32 s9, $0xF7A;
	s5 =	simm.s32 @!p2 $0x0  }
0x1d: {  	s5 =	simm.s32 @p1 $0x1;
	p0 =	seq.s32 s7, s2  }
0x1e: {  	s7 =	smul.u32 @!p0 $0xF7A, s2;
	p2 =	seq.s32 @!p0 s5, $0x0  }
0x1f: {  	s9 =	smul.u32 $0xF7A, s1;
	s8 =	simm.s32 @!p0 $0x1BF5;
	p2 =	por !p2, p0  }
0x20: {  	[sflag:s8] =	ssyncset.s32 @!p0 $0xFFFFF086;
	s6 =	sadd.s32 @!p0 s3, s7;
	s7 =	simm.s32 @!p0 $0x108  }
0x21: {  	s3 =	sadd.s32 s3, s9;
	s6 =	sadd.s32 @!p0 $0x88, s6;
	s7 =	simm.s32 @p2 $0x1082  }
0x22: {  	[simem:s7], [sflag:s8] =	dma.local @!p0 [hbm:s6], $0xF7A  }
0x23: {  	s9 =	sor.u32 $0xD0000000, s2;
	s6 =	simm.s32 $0x108;
	_ =	swait.ge @!p0 [sflag:s8], $0x0  }
0x24: {  	s3 =	sadd.s32 $0x88, s3;
	s6 =	simm.s32 @!p1 $0x1082;
	[sflag:s4] =	ssyncset.s32 $0xFFFFF086  }
0x25: {  	[simem:s6], [sflag:s4] =	dma.local [hbm:s3], $0xF7A  }
0x26: {  	[smem:$0x3F9F] =	sst s1;
	(tag) =	ssettag s2;
	_ =	strace s9  }
0x27: {  	s1 =	sld [smem:$0x3FAF]  }
0x28: {  	s2 =	sld [smem:$0x3FB0]  }
0x29: {  	s4 =	sld [smem:$0x3FB2]  }
0x2a: {  	p0 =	seq.s32 s5, $0x0;
	s5 =	sld [smem:$0x3FB3]  }
0x2b: {  	s6 =	sld [smem:$0x3FB4]  }
0x2c: {  	s7 =	sld [smem:$0x3FB5]  }
0x2d: {  	s3 =	simm.s32 $0x108;
	s8 =	sld [smem:$0x3FB6]  }
0x2e: {  	s3 =	simm.s32 @!p0 $0x1082;
	s9 =	sld [smem:$0x3FB7]  }
0x2f: {  	lr =	sadd.s32 s0, s3;
	s0 =	sld [smem:$0x3FAE]  }
0x30: {  	s3 =	sld [smem:$0x3FB1]  }
0x31: {  	[smem:$0x3FBA] =	sst s10  }
0x32: {  	s10 =	sld [smem:$0x3FB8];
	_ =	sdelay $0x3  }
0x33: {  	p0 =	seq.s32 s10, $0x1;
	s10 =	sld [smem:$0x3FBA];
	_ =	sdelay $0x3  }
0x34: {  	[smem:$0x3FBA] =	sst s10  }
0x35: {  	s10 =	sld [smem:$0x3FB9];
	_ =	sdelay $0x3  }
0x36: {  	p1 =	seq.s32 s10, $0x1;
	s10 =	sld [smem:$0x3FBA];
	_ =	sdelay $0x3  }
0x37: {  	[smem:$0x3FBA] =	sst s10  }
0x38: {  	s10 =	sld [smem:$0x3FBB]  }
0x39: {  	_ = 	snop;
	(pc) =	sbr.ind lr, $3  }
0x3a: {  	_ = 	snop  }
0x3b: {  	_ = 	snop  }
0x3c: {  	p2 =	seq.s32 s10, $0x1;
	s10 =	sld [smem:$0x3FBA]  }
0x3d: {  	_ =	shalt  }
0x3e: {  	_ =	shalt  }
0x3f: {  	_ =	shalt  }
0x40: {  	_ =	shalt  }
0x41: {  	_ =	shalt  }
0x42: {  	_ =	shalt  }
0x43: {  	_ =	shalt  }
0x44: {  	_ =	shalt  }
0x45: {  	_ =	shalt  }
0x46: {  	_ =	shalt  }
0x47: {  	_ =	shalt  }
0x48: {  	_ =	shalt  }
0x49: {  	_ =	shalt  }
0x4a: {  	_ =	shalt  }
0x4b: {  	_ =	shalt  }
0x4c: {  	_ =	shalt  }
0x4d: {  	_ =	shalt  }
0x4e: {  	_ =	shalt  }
0x4f: {  	_ =	shalt  }
0x50: {  	_ =	shalt  }
0x51: {  	_ =	shalt  }
0x52: {  	_ =	shalt  }
0x53: {  	_ =	shalt  }
0x54: {  	_ =	shalt  }
0x55: {  	_ =	shalt  }
0x56: {  	_ =	shalt  }
0x57: {  	_ =	shalt  }
0x58: {  	_ =	shalt  }
0x59: {  	_ =	shalt  }
0x5a: {  	_ =	shalt  }
0x5b: {  	_ =	shalt  }
0x5c: {  	_ =	shalt  }
0x5d: {  	_ =	shalt  }
0x5e: {  	_ =	shalt  }
0x5f: {  	_ =	shalt  }
0x60: {  	_ =	shalt  }
0x61: {  	_ =	shalt  }
0x62: {  	_ =	shalt  }
0x63: {  	_ =	shalt  }
0x64: {  	_ =	shalt  }
0x65: {  	_ =	shalt  }
0x66: {  	_ =	shalt  }
0x67: {  	_ =	shalt  }
0x68: {  	_ =	shalt  }
0x69: {  	_ =	shalt  }
0x6a: {  	_ =	shalt  }
0x6b: {  	_ =	shalt  }
0x6c: {  	_ =	shalt  }
0x6d: {  	_ =	shalt  }
0x6e: {  	_ =	shalt  }
0x6f: {  	_ =	shalt  }
0x70: {  	_ =	shalt  }
0x71: {  	_ =	shalt  }
0x72: {  	_ =	shalt  }
0x73: {  	_ =	shalt  }
0x74: {  	_ =	shalt  }
0x75: {  	_ =	shalt  }
0x76: {  	_ =	shalt  }
0x77: {  	_ =	shalt  }
0x78: {  	_ =	shalt  }
0x79: {  	_ =	shalt  }
0x7a: {  	_ =	shalt  }
0x7b: {  	_ =	shalt  }
0x7c: {  	_ =	shalt  }
0x7d: {  	_ =	shalt  }
0x7e: {  	_ =	shalt  }
0x7f: {  	_ =	shalt  }
0x80: {  	_ =	shalt  }
0x81: {  	_ =	shalt  }
0x82: {  	_ =	shalt  }
0x83: {  	_ =	shalt  }
0x84: {  	_ =	shalt  }
0x85: {  	_ =	shalt  }
0x86: {  	_ =	shalt  }
0x87: {  	_ =	shalt  }
.Lfunc_end0:
.L_simem_size_0:
called_computation_lowered:
.L_overlay_start_0:
0x88: {  	s2 =	sld [smem:$0x3FD9]  }
0x89: {  	s3 =	sld [smem:$0x3FFE];
	_ =	sdelay $0x1  }
0x8a: {  	s1 =	srdreg.scid  }
0x8b: {  	s0 =	sand.u32 $0x1, s1  }
0x8c: {  	s17 =	sshll.u32 s0, $0xA;
	s2 =	sadd.s32 s3, s2  }
0x8d: {  	s2 =	sadd.s32 s2, s17  }
0x8e: {  	[smem:$0x3FC6] =	sst s2  }
0x8f: {  	_ = 	snop  }
0x90: {  	s2 =	sld [smem:$0x3FD0];
	(tm) =	ssettm $0x1  }
0x91: {  	s18 =	sld [smem:$0x3FFB];
	_ =	sdelay $0x3  }
0x92: {  	_ =	strace s18  }
0x93: {  	s3 =	sld [smem:$0x3FFC];
	_ =	sdelay $0x3  }
0x94: {  	_ =	strace s3  }
0x95: {  	s3 =	sld [smem:$0x3FFD];
	_ =	sdelay $0x3  }
0x96: {  	_ =	strace s3  }
0x97: {  	_ =	strace $0x8FFFFFFF  }
0x98: {  	s19 =	sld [smem:$0x3FDB];
	_ =	sdelay $0x1  }
0x99: {  	s4 =	simm.s32 $_scs_section_size  }
0x9a: {  	s5 =	simm.s32 $_size__tile_overlayer_lowered;
	s6 =	simm.s32 $_tile_overlayer_lowered  }
0x9b: {  	s22 =	simm.s32 $0x1BFF;
	s21 =	sshll.u32 s6, $0x1;
	s3 =	sadd.s32 s4, s19  }
0x9c: {  	s7 =	simm.s32 $0x0;
	s20 =	sshll.u32 s5, $0x1;
	s5 =	sadd.s32 s21, s3  }
0x9d: {  	[timem:s7], [sflag:s22] =	dma.local [hbm:s5], s20  }
0x9e: {  	_ =	swait.ge [sflag:s22], s20  }
0x9f: {  	s4 =	ssub.s32 $0x0, s20;
	[sflag:s22] =	ssyncset.done $0x0  }
0xa0: {  	[sflag:s22] =	ssyncadd.s32 s4;
	_ =	sdelay $0x1  }
0xa1: {  	s23 =	simm.s32 $0x1B8B  }
0xa2: {  	_ =	swait.ge [sflag:s23], $0x1  }
0xa3: {  	[sflag:s23] =	ssyncset.done $0x0  }
0xa4: {  	s25 =	simm.s32 $0x1B8E;
	s24 =	sld [smem:$0x3FFE];
	[sflag:s23] =	ssyncadd.s32 $0xFFFFFFFF  }
0xa5: {  	s26 =	simm.s32 $execute0_lowered;
	[smem:$0x3FD2] =	sst s25  }
0xa6: {  	s5 =	sshll.u32 s26, $0x1;
	_ =	strace $0x80000046;
	[dreg:$0x1] =	wrdreg $0xFFFFFFFF  }
0xa7: {  	s28 =	simm.s32 $_size_execute0_lowered;
	s3 =	sadd.s32 s3, s5;
	[dreg:$0x0] =	wrdreg $0x0  }
0xa8: {  	s5 =	sshll.u32 s28, $0x1;
	[dreg:$0x2] =	wrdreg s3  }
0xa9: {  	[dreg:$0x3] =	wrdreg s5  }
0xaa: {  	[dreg:$0x4] =	wrdreg $0xC0  }
0xab: {  	_ =	task [dreg:s7], $0x5FFFF  }
0xac: {  	[dreg:$0x1] =	wrdreg $0xFFFFFFFF  }
0xad: {  	[dreg:$0x0] =	wrdreg $0x60  }
0xae: {  	[dreg:$0x2] =	wrdreg s24  }
0xaf: {  	[dreg:$0x3] =	wrdreg s2  }
0xb0: {  	[dreg:$0x4] =	wrdreg $0x9  }
0xb1: {  	_ =	task.clear_ibuf [dreg:s7], $0x5FFFF;
	_ =	strace $0x90000046  }
0xb2: {  	s29 =	simm.s32 $0x9;
	_ =	strace $0x80000048  }
0xb3: {  	_ =	swait.ge [sflag:s29], $0x1  }
0xb4: {  	[sflag:s29] =	ssyncadd.s32 $0xFFFFFFFF  }
0xb5: {  	_ =	strace $0x90000048  }
0xb6: {  	_ =	sfence  }
0xb7: {  	s30 =	sld [smem:$0x0];
	_ =	sdelay $0x2  }
0xb8: {  	s31 =	sshll.u32 s1, $0xD;
	s1 =	sshrl.u32 s1, $0x2  }
0xb9: {  	s3 =	sand.u32 $0x4000, s31;
	s1 =	sadd.s32 s1, s30  }
0xba: {  	s0 =	sor.u32 s3, s0;
	s1 =	sshll.u32 s1, $0x11  }
0xbb: {  	s0 =	sor.u32 s1, s0  }
0xbc: {  	s0 =	sadd.s32 $0x8F2B, s0  }
0xbd: {  	[sflag:s0] =	ssyncadd.remote.s32 $0x1  }
0xbe: {  	_ =	sfence.sel $0xFFFF  }
0xbf: {  	[dreg:$0x0] =	wrdreg $0xFFFFFFFF;
	(pc) =	sbr.abs _section_cstart, $3  }
0xc0: {  	[dreg:$0x1] =	wrdreg $0xFFFFFFFF  }
0xc1: {  	_ =	task.clear_ibuf [dreg:s7], $0x2FFFF;
	_ =	strace $0x9FFFFFFF  }
0xc2: {  	(tm) =	ssettm $0x7FFFFFFF  }
0xc3: {  	_ =	shalt  }
tec
execute0_lowered:
.L_overlay_start_1:
0x0: {  	(tag) =	ssettag $0x1  }
0x1: {  	s0 =	rddreg [dreg:$0x0];
	s1 =	srdreg.scid  }
0x2: {  	s3 =	stileid.u32;
	s2 =	rddreg [dreg:$0x1]  }
0x3: {  	s13 =	simm.s32 $0x80;
	s24 =	simm.s32 $0xE4C0;
	s28 =	simm.s32 $0xE500  }
0x4: {  	s29 =	simm.s32 $0x2;
	s30 =	simm.s32 $0x6;
	s31 =	simm.s32 $0x10700  }
0x5: {  	s14 =	simm.s32 $0x12900;
	s16 =	simm.s32 $0x4;
	s17 =	simm.s32 $0x8  }
0x6: {  	s18 =	simm.s32 $0x14B00;
	s1 =	sand.u32 $0x1, s1;
	s4 =	sshll.u32 s3, $0x1  }
0x7: {  	s3 =	simm.s32 $0x0;
	s5 =	sadd.s32 $0x19C00, s0;
	s25 =	sadd.s32 $0x408, s0  }
0x8: {  	s10 =	sadd.s32 $0x8000, s2;
	s11 =	sadd.s32 $0x10000, s2;
	s6 =	sor.u32 s1, s4  }
0x9: {  	[smem:$0x7FF] =	sst s3;
	s1 =	ssub.s32 $0x2, s1;
	s4 =	sshll.u32 s6, $0x4  }
0xa: {  	_ =	strace $0x80000047;
	s8 =	sshrl.u32 s1, $0x1;
	[dreg:$0x4] =	wrdreg s25  }
0xb: {  	s9 =	sshll.u32 s6, $0xA;
	s25 =	simm.s32 $0x1;
	s7 =	sadd.s32 s4, s0  }
0xc: {  	v0 =	vlaneseq.u32;
	s4 =	sadd.s32 $0x400, s0;
	s1 =	ssub.s32 s1, s8;
	s0 =	sadd.s32 $0x410, s0  }
0xd: {  	v0 =	vmul.u32 $0x88, v0;
	s8 =	simm.s32 $0x0;
	s7 =	sadd.s32 $0xC00, s7;
	[dreg:$0x5] =	wrdreg s0  }
0xe: {  	s26 =	smax.u32 s1, $0x1;
	s1 =	simm.s32 $0x3;
	[dreg:$0x3] =	wrdreg s7  }
0xf: {  	v1 =	vadd.s32 $0x880, v0;
	v2 =	vadd.s32 $0x1100, v0;
	v3 =	vadd.s32 $0x1980, v0;
	s0 =	simm.s32 $0x7;
	[dreg:$0x6] =	wrdreg s26;
	s26 =	simm.s32 $0x5  }
.LBB2_1:
0x10: {  	[dreg:$0x7] =	wrdreg s8  }
0x11: {  	s6 =	rddreg [dreg:$0x3];
	s7 =	simm.s32 $0x1000;
	s23 =	simm.s32 $0xD  }
0x12: {  	[tilespmem:s3], [sflag:$0xD] =	stream.strided.gather [hbm4b:s6+s13], $0x6400, s7, s13, $0x38;
	[tilespmem:$0x16D00] =	vst v63  }
0x13: {  	_ =	swait.ge [sflag:s23], $0x6400  }
0x14: {  	[sflag:s23] =	ssyncset.done $0x0  }
0x15: {  	s7 =	simm.s32 $0x6400;
	[sflag:s23] =	ssyncadd.s32 $0xFFFF9C00  }
0x16: {  	[tilespmem:s7], [sflag:$0x1] =	stream.indirect.gather [hbm4b:s5+s13], $0x40, s3, s13, $0xb8;
	[tilespmem:$0x16D00] =	vst v63  }
0x17: {  	s8 =	simm.s32 $0xE400  }
0x18: {  	[tilespmem:s8], [sflag:$0x5] =	stream.linear.gather [hbm4b:s4+s3], $0x40, $0x38;
	[tilespmem:$0x16D00] =	vst v63  }
0x19: {  	s12 =	simm.s32 $0x8400  }
0x1a: {  	[tilespmem:s12], [sflag:$0x2] =	stream.indirect.gather [hbm4b:s5+s13], $0x40, s13, s13, $0xb8;
	[tilespmem:$0x16D00] =	vst v63  }
0x1b: {  	s19 =	simm.s32 $0xE440;
	s15 =	rddreg [dreg:$0x4]  }
0x1c: {  	[tilespmem:s19], [sflag:$0x6] =	stream.linear.gather [hbm4b:s15+s3], $0x40, $0x38;
	[tilespmem:$0x16D00] =	vst v63  }
0x1d: {  	s20 =	simm.s32 $0x100;
	s21 =	simm.s32 $0xA400  }
0x1e: {  	[tilespmem:s21], [sflag:$0x3] =	stream.indirect.gather [hbm4b:s5+s13], $0x40, s20, s13, $0xb8;
	[tilespmem:$0x16D00] =	vst v63  }
0x1f: {  	s22 =	rddreg [dreg:$0x5];
	s23 =	simm.s32 $0xE480;
	s7 =	simm.s32 $0x0  }
0x20: {  	[tilespmem:s23], [sflag:$0x7] =	stream.linear.gather [hbm4b:s22+s3], $0x40, $0x38;
	[tilespmem:$0x16D00] =	vst v63  }
.LBB2_2:
0x21: {  	s8 =	sshllo.u32 s7, $0x2  }
0x22: {  	s6 =	sshll.u32 s8, $0x7  }
0x23: {  	s12 =	simm.s32 $0xC400;
	s22 =	sshll.u32 s8, $0x3;
	s6 =	sand.u32 $0x3FFFFF80, s6  }
0x24: {  	[tilespmem:s12], [sflag:$0x4] =	stream.indirect.gather [hbm4b:s5+s13], $0x40, s6, s13, $0xb8;
	[tilespmem:$0x16D00] =	vst v63  }
0x25: {  	s6 =	sadd.s32 s4, s22  }
0x26: {  	[tilespmem:s24], [sflag:$0x8] =	stream.linear.gather [hbm4b:s6+s3], $0x40, $0x38;
	[tilespmem:$0x16D00] =	vst v63  }
0x27: {  	_ =	swait.ge [sflag:s25], $0x2000  }
0x28: {  	[sflag:s25] =	ssyncset.done $0x0  }
0x29: {  	[sflag:s25] =	ssyncadd.s32 $0xFFFFE000  }
0x2a: {  	_ =	swait.ge [sflag:s26], $0x40  }
0x2b: {  	p0 =	seq.s32 s7, $0x0;
	[sflag:s26] =	ssyncset.done $0x0  }
0x2c: {  	s6 =	simm.s32 @!p0 $0x9;
	[sflag:s26] =	ssyncadd.s32 $0xFFFFFFC0  }
0x2d: {  	_ =	swait.ge @!p0 [sflag:s6], $0x2000  }
0x2e: {  	[sflag:s6] =	ssyncset.done @!p0 $0x0  }
0x2f: {  	[sflag:s6] =	ssyncadd.s32 @!p0 $0xFFFFE000  }
0x30: {  	s23 =	simm.s32 $0x3;
	s12 =	simm.s32 $0x6480;
	v9 =	vld [tilespmem:$0xE400]  }
0x31: {  	v4 =	vmov s23;
	v7 =	vld [tilespmem:s12+$0x40]  }
0x32: {  	v13 =	vand.u32 $0x7F, v4  }
0x33: {  	s15 =	simm.s32 $0x0;
	v8 =	vadd.s32 v0, v13;
	v6 =	vld [tilespmem:$0xE410]  }
0x34: {  	s19 =	simm.s32 $0x1;
	v4 =	vmov s15;
	s15 =	simm.s32 $0x2;
	v10 =	vld [tilespmem:s12+$0xFFFFFF80]  }
0x35: {  	v12 =	vand.u32 $0x7C, v4;
	v4 =	vmov s19;
	v14 =	vmov s15;
	v11 =	vld [tilespmem:s12+$0xFFFFFFC0]  }
0x36: {  	v15 =	vadd.s32 v0, v12;
	v19 =	vand.u32 $0x7D, v4;
	v16 =	vld [tilespmem:s12+$0x0];
	v7 =	vadd.f32 v7, v9  }
0x37: {  	v20 =	vand.u32 $0x7E, v14;
	v17 =	vadd.s32 v0, v19;
	v5 =	vld [tilespmem:$0xE420]  }
0x38: {  	v14 =	vadd.s32 v0, v20;
	v4 =	vld [tilespmem:$0xE430];
	[tilespmem:v8+s28+$0x0] =	vst.idx.msk $0xffff, v7  }
0x39: {  	v7 =	vadd.f32 v10, v9;
	v8 =	vld [tilespmem:s12+$0x50]  }
0x3a: {  	v10 =	vadd.f32 v11, v9  }
0x3b: {  	v11 =	vadd.s32 v1, v13;
	[tilespmem:v15+s28+$0x0] =	vst.idx.msk $0xffff, v7;
	v7 =	vadd.f32 v16, v9  }
0x3c: {  	[tilespmem:v17+s28+$0x0] =	vst.idx.msk $0xffff, v10;
	v15 =	vld [tilespmem:s12+$0xFFFFFF90]  }
0x3d: {  	v10 =	vld [tilespmem:s12+$0xFFFFFFD0];
	[tilespmem:v14+s28+$0x0] =	vst.idx.msk $0xffff, v7  }
0x3e: {  	v14 =	vld [tilespmem:s12+$0x10];
	v7 =	vadd.f32 v8, v6  }
0x3f: {  	s19 =	simm.s32 $0x7;
	s15 =	simm.s32 $0x6580;
	v16 =	vadd.s32 v1, v19  }
0x40: {  	s20 =	simm.s32 $0x4;
	v26 =	vadd.s32 v2, v13;
	v18 =	vld [tilespmem:s15+$0x40];
	v17 =	vadd.s32 v1, v20;
	[tilespmem:v11+s28+$0x0] =	vst.idx.msk $0xffff, v7;
	v7 =	vmov s19  }
0x41: {  	v21 =	vadd.s32 v1, v12;
	v8 =	vmov s20;
	v7 =	vand.u32 $0x7F, v7;
	v22 =	vld [tilespmem:s12+$0x60]  }
0x42: {  	s21 =	simm.s32 $0x5;
	v23 =	vld [tilespmem:s15+$0xFFFFFF80];
	v8 =	vand.u32 $0x7C, v8;
	v10 =	vadd.f32 v10, v6;
	v24 =	vadd.s32 v0, v7  }
0x43: {  	s22 =	simm.s32 $0x6;
	v25 =	vld [tilespmem:s15+$0xFFFFFFC0];
	v15 =	vadd.f32 v15, v6;
	v11 =	vadd.f32 v14, v6;
	v14 =	vmov s21  }
0x44: {  	v27 =	vadd.s32 v0, v8;
	[tilespmem:v16+s28+$0x0] =	vst.idx.msk $0xffff, v10;
	v16 =	vmov s22;
	v10 =	vand.u32 $0x7D, v14;
	v14 =	vld [tilespmem:s15+$0x0]  }
0x45: {  	[tilespmem:v17+s28+$0x0] =	vst.idx.msk $0xffff, v11;
	v17 =	vadd.s32 v0, v10;
	v11 =	vand.u32 $0x7E, v16;
	v16 =	vadd.f32 v18, v9;
	v18 =	vld [tilespmem:s12+$0xFFFFFFE0]  }
0x46: {  	[tilespmem:v21+s28+$0x0] =	vst.idx.msk $0xffff, v15;
	v15 =	vadd.s32 v0, v11;
	v21 =	vld [tilespmem:s12+$0x20];
	v22 =	vadd.f32 v22, v5  }
0x47: {  	v23 =	vadd.f32 v23, v9;
	[tilespmem:v24+s28+$0x0] =	vst.idx.msk $0xffff, v16;
	v16 =	vld [tilespmem:s12+$0xFFFFFFA0];
	v24 =	vadd.s32 v2, v19  }
0x48: {  	v29 =	vadd.s32 v2, v20;
	v25 =	vadd.f32 v25, v9;
	v28 =	vld [tilespmem:s15+$0x50];
	[tilespmem:v26+s28+$0x0] =	vst.idx.msk $0xffff, v22  }
0x49: {  	[tilespmem:v27+s28+$0x0] =	vst.idx.msk $0xffff, v23;
	v23 =	vadd.s32 v2, v12;
	v14 =	vadd.f32 v14, v9;
	v26 =	vld [tilespmem:s12+$0x70]  }
0x4a: {  	v27 =	vld [tilespmem:s15+$0xFFFFFF90];
	[tilespmem:v17+s28+$0x0] =	vst.idx.msk $0xffff, v25;
	v25 =	vadd.s32 v1, v7;
	v18 =	vadd.f32 v18, v5  }
0x4b: {  	v31 =	vadd.s32 v3, v13;
	v30 =	vld [tilespmem:s15+$0xFFFFFFD0];
	[tilespmem:v15+s28+$0x0] =	vst.idx.msk $0xffff, v14;
	v14 =	vadd.f32 v21, v5  }
0x4c: {  	v22 =	vadd.s32 v1, v8;
	v17 =	vld [tilespmem:s15+$0x10];
	v13 =	vadd.f32 v16, v5;
	[tilespmem:v24+s28+$0x0] =	vst.idx.msk $0xffff, v18  }
0x4d: {  	s20 =	simm.s32 $0x8;
	v21 =	vadd.s32 v1, v10;
	[tilespmem:v29+s28+$0x0] =	vst.idx.msk $0xffff, v14;
	v18 =	vadd.f32 v28, v6;
	v16 =	vld [tilespmem:s12+$0xFFFFFFF0]  }
0x4e: {  	v24 =	vmov s20;
	v14 =	vadd.s32 v1, v11;
	v15 =	vld [tilespmem:s12+$0x30];
	[tilespmem:v23+s28+$0x0] =	vst.idx.msk $0xffff, v13;
	v63 =	vadd.f32 v26, v4  }
0x4f: {  	s23 =	simm.s32 $0xB;
	s19 =	simm.s32 $0x6680;
	v19 =	vadd.s32 v3, v19;
	v13 =	vand.u32 $0x7C, v24;
	v24 =	vadd.f32 v27, v6;
	[tilespmem:v25+s28+$0x0] =	vst.idx.msk $0xffff, v18;
	v18 =	vld [tilespmem:s12+$0xFFFFFFB0]  }
0x50: {  	v20 =	vadd.s32 v3, v20;
	s21 =	simm.s32 $0xC;
	v26 =	vmov s23;
	v23 =	vld [tilespmem:s19+$0x40];
	s12 =	sshll.u32 s7, $0x2;
	v25 =	vadd.f32 v30, v6;
	[tilespmem:v31+s28+$0x0] =	vst.idx.msk $0xffff, v63  }
.LBB2_3:
0x51: {  	p1 =	slt.u32 s21, $0x7C;
	s6 =	sadd.s32 $0x1, s20;
	v26 =	vand.u32 $0x7F, v26;
	[tilespmem:v22+s28+$0x0] =	vst.idx.msk $0xffff, v24;
	v17 =	vadd.f32 v17, v6;
	v22 =	vld [tilespmem:s15+$0x60];
	v24 =	vadd.s32 v3, v12  }
0x52: {  	v30 =	vmovc v11;
	v27 =	vld [tilespmem:s19+$0xFFFFFF80];
	v28 =	vmov s6;
	s6 =	sadd.s32 $0x2, s20;
	v29 =	vadd.s32 v0, v26;
	[tilespmem:v21+s28+$0x0] =	vst.idx.msk $0xffff, v25;
	v16 =	vadd.f32 v16, v4;
	s20 =	smov.u32 s21  }
0x53: {  	v12 =	vmovc v8;
	v21 =	vld [tilespmem:s19+$0xFFFFFFC0];
	v11 =	vmov s6;
	[tilespmem:v14+s28+$0x0] =	vst.idx.msk $0xffff, v17;
	v14 =	vadd.s32 v2, v7;
	v15 =	vadd.f32 v15, v4  }
0x54: {  	v17 =	vadd.s32 v0, v13;
	v28 =	vand.u32 $0x7D, v28;
	v25 =	vld [tilespmem:s19+$0x0];
	v31 =	vadd.f32 v18, v4;
	[tilespmem:v19+s28+$0x0] =	vst.idx.msk $0xffff, v16  }
0x55: {  	v16 =	vadd.s32 v0, v28;
	v11 =	vand.u32 $0x7E, v11;
	v18 =	vadd.f32 v23, v9;
	v19 =	vld [tilespmem:s15+$0xFFFFFFE0];
	[tilespmem:v20+s28+$0x0] =	vst.idx.msk $0xffff, v15  }
0x56: {  	v8 =	vmov v13;
	v15 =	vadd.s32 v0, v11;
	v20 =	vld [tilespmem:s15+$0x20];
	v22 =	vadd.f32 v22, v5;
	[tilespmem:v24+s28+$0x0] =	vst.idx.msk $0xffff, v31  }
0x57: {  	v23 =	vadd.s32 v2, v10;
	v13 =	vadd.f32 v27, v9;
	[tilespmem:v29+s28+$0x0] =	vst.idx.msk $0xffff, v18;
	v18 =	vld [tilespmem:s15+$0xFFFFFFA0]  }
0x58: {  	v27 =	vadd.s32 v2, v30;
	v21 =	vadd.f32 v21, v9;
	v24 =	vld [tilespmem:s19+$0x50];
	[tilespmem:v14+s28+$0x0] =	vst.idx.msk $0xffff, v22  }
0x59: {  	[tilespmem:v17+s28+$0x0] =	vst.idx.msk $0xffff, v13;
	v13 =	vadd.f32 v25, v9;
	v25 =	vadd.s32 v2, v12;
	v29 =	vld [tilespmem:s15+$0x70]  }
0x5a: {  	v32 =	vadd.s32 v1, v26;
	v31 =	vld [tilespmem:s19+$0xFFFFFF90];
	[tilespmem:v16+s28+$0x0] =	vst.idx.msk $0xffff, v21;
	v14 =	vadd.f32 v19, v5  }
0x5b: {  	v34 =	vadd.s32 v3, v7;
	v7 =	vmov v26;
	v33 =	vld [tilespmem:s19+$0xFFFFFFD0];
	[tilespmem:v15+s28+$0x0] =	vst.idx.msk $0xffff, v13;
	v13 =	vadd.f32 v20, v5  }
.Ltmp0:
0x5c: {  	v22 =	vadd.s32 v1, v8;
	v17 =	vld [tilespmem:s19+$0x10];
	v15 =	vadd.f32 v18, v5;
	[tilespmem:v23+s28+$0x0] =	vst.idx.msk $0xffff, v14;
	(pc) =	sbr.rel @p1 .LBB2_3-.Ltmp0, $4  }
0x5d: {  	v21 =	vadd.s32 v1, v28;
	v18 =	vadd.f32 v24, v6;
	v16 =	vld [tilespmem:s15+$0xFFFFFFF0];
	[tilespmem:v27+s28+$0x0] =	vst.idx.msk $0xffff, v13  }
0x5e: {  	v14 =	vadd.s32 v1, v11;
	v13 =	vmov s21;
	[tilespmem:v25+s28+$0x0] =	vst.idx.msk $0xffff, v15;
	v15 =	vld [tilespmem:s15+$0x30];
	v27 =	vadd.f32 v29, v4  }
0x5f: {  	s6 =	sadd.s32 $0x3, s21;
	v19 =	vadd.s32 v3, v10;
	v13 =	vand.u32 $0x7C, v13;
	v24 =	vadd.f32 v31, v6;
	[tilespmem:v32+s28+$0x0] =	vst.idx.msk $0xffff, v18;
	v18 =	vld [tilespmem:s15+$0xFFFFFFB0];
	s15 =	smov.u32 s19;
	s19 =	sadd.s32 $0x100, s19  }
0x60: {  	v26 =	vmov s6;
	v10 =	vmovc v28;
	v20 =	vadd.s32 v3, v30;
	s21 =	sadd.s32 $0x4, s21;
	v23 =	vld [tilespmem:s19+$0x40];
	v25 =	vadd.f32 v33, v6;
	[tilespmem:v34+s28+$0x0] =	vst.idx.msk $0xffff, v27  }
0x61: {  	s6 =	sadd.s32 $0x1, s20  }
0x62: {  	v26 =	vand.u32 $0x7F, v26;
	s21 =	sadd.s32 $0x2, s20;
	v28 =	vld [tilespmem:s19+$0xFFFFFFC0];
	v27 =	vmov s6  }
0x63: {  	v31 =	vld [tilespmem:s19+$0x0];
	v29 =	vadd.s32 v0, v26;
	v30 =	vmov s21;
	v27 =	vand.u32 $0x7D, v27  }
0x64: {  	v32 =	vld [tilespmem:s19+$0xFFFFFF80];
	v30 =	vand.u32 $0x7E, v30;
	v33 =	vadd.s32 v0, v27  }
0x65: {  	v34 =	vadd.s32 v0, v30  }
0x66: {  	[tilespmem:v22+s28+$0x0] =	vst.idx.msk $0xffff, v24;
	v44 =	vadd.s32 v0, v13;
	v23 =	vadd.f32 v23, v9  }
0x67: {  	[tilespmem:v21+s28+$0x0] =	vst.idx.msk $0xffff, v25;
	v45 =	vadd.f32 v28, v9  }
0x68: {  	v46 =	vadd.f32 v31, v9;
	[tilespmem:v29+s28+$0x0] =	vst.idx.msk $0xffff, v23  }
0x69: {  	v47 =	vadd.f32 v32, v9;
	v48 =	vld [tilespmem:s19+$0x50];
	[tilespmem:v33+s28+$0x0] =	vst.idx.msk $0xffff, v45  }
0x6a: {  	v17 =	vadd.f32 v17, v6;
	v12 =	vadd.s32 v3, v12;
	[tilespmem:v34+s28+$0x0] =	vst.idx.msk $0xffff, v46;
	v21 =	vld [tilespmem:s19+$0xFFFFFFD0]  }
0x6b: {  	v16 =	vadd.f32 v16, v4;
	v49 =	vadd.s32 v1, v26;
	[tilespmem:v44+s28+$0x0] =	vst.idx.msk $0xffff, v47;
	v50 =	vld [tilespmem:s19+$0x10]  }
0x6c: {  	[tilespmem:v14+s28+$0x0] =	vst.idx.msk $0xffff, v17;
	v51 =	vadd.f32 v15, v4;
	v53 =	vadd.s32 v1, v27;
	v52 =	vld [tilespmem:s19+$0xFFFFFF90]  }
0x6d: {  	v54 =	vld [tilespmem:s15+$0x60];
	v18 =	vadd.f32 v18, v4;
	[tilespmem:v19+s28+$0x0] =	vst.idx.msk $0xffff, v16;
	v55 =	vadd.s32 v1, v30  }
0x6e: {  	v57 =	vadd.s32 v1, v13;
	v60 =	vld [tilespmem:s15+$0x20];
	[tilespmem:v20+s28+$0x0] =	vst.idx.msk $0xffff, v51;
	v58 =	vadd.f32 v48, v6  }
0x6f: {  	v59 =	vadd.s32 v2, v7;
	v56 =	vld [tilespmem:s15+$0xFFFFFFE0];
	[tilespmem:v12+s28+$0x0] =	vst.idx.msk $0xffff, v18;
	v61 =	vadd.f32 v21, v6  }
0x70: {  	v62 =	vld [tilespmem:s15+$0xFFFFFFA0];
	v29 =	vadd.s32 v2, v11;
	[tilespmem:v49+s28+$0x0] =	vst.idx.msk $0xffff, v58;
	v28 =	vadd.f32 v50, v6  }
0x71: {  	v63 =	vadd.s32 v2, v10;
	v31 =	vadd.f32 v52, v6;
	v32 =	vld [tilespmem:s19+$0x60];
	[tilespmem:v53+s28+$0x0] =	vst.idx.msk $0xffff, v61  }
0x72: {  	v33 =	vadd.f32 v54, v5;
	v34 =	vadd.s32 v2, v8;
	[tilespmem:v55+s28+$0x0] =	vst.idx.msk $0xffff, v28;
	v35 =	vld [tilespmem:s19+$0xFFFFFFE0]  }
0x73: {  	v37 =	vadd.s32 v2, v26;
	v39 =	vadd.f32 v60, v5;
	[tilespmem:v57+s28+$0x0] =	vst.idx.msk $0xffff, v31;
	v38 =	vld [tilespmem:s19+$0x20]  }
0x74: {  	v41 =	vadd.s32 v2, v27;
	v36 =	vadd.f32 v56, v5;
	[tilespmem:v59+s28+$0x0] =	vst.idx.msk $0xffff, v33;
	v40 =	vld [tilespmem:s19+$0xFFFFFFA0]  }
0x75: {  	v43 =	vadd.s32 v2, v30;
	v18 =	vadd.f32 v62, v5;
	v42 =	vld [tilespmem:s15+$0x70];
	[tilespmem:v29+s28+$0x0] =	vst.idx.msk $0xffff, v39  }
0x76: {  	v45 =	vadd.s32 v2, v13;
	[tilespmem:v63+s28+$0x0] =	vst.idx.msk $0xffff, v36;
	v47 =	vld [tilespmem:s15+$0x30];
	v44 =	vadd.f32 v32, v5  }
0x77: {  	v46 =	vadd.s32 v3, v7;
	[tilespmem:v34+s28+$0x0] =	vst.idx.msk $0xffff, v18;
	v21 =	vld [tilespmem:s15+$0xFFFFFFF0];
	v9 =	vadd.f32 v35, v5  }
0x78: {  	v18 =	vld [tilespmem:s15+$0xFFFFFFB0];
	v50 =	vadd.s32 v3, v11;
	[tilespmem:v37+s28+$0x0] =	vst.idx.msk $0xffff, v44;
	v49 =	vadd.f32 v38, v5  }
0x79: {  	v48 =	vadd.s32 v3, v10;
	v5 =	vadd.f32 v40, v5;
	v12 =	vld [tilespmem:s19+$0x70];
	[tilespmem:v41+s28+$0x0] =	vst.idx.msk $0xffff, v9  }
0x7a: {  	v52 =	vadd.s32 v3, v8;
	v51 =	vadd.f32 v42, v4;
	[tilespmem:v43+s28+$0x0] =	vst.idx.msk $0xffff, v49;
	v53 =	vld [tilespmem:s19+$0xFFFFFFF0]  }
0x7b: {  	v55 =	vadd.s32 v3, v26;
	v56 =	vadd.f32 v47, v4;
	[tilespmem:v45+s28+$0x0] =	vst.idx.msk $0xffff, v5;
	v5 =	vld [tilespmem:s19+$0x30]  }
0x7c: {  	v58 =	vadd.s32 v3, v27;
	[tilespmem:v46+s28+$0x0] =	vst.idx.msk $0xffff, v51;
	v54 =	vadd.f32 v21, v4;
	v57 =	vld [tilespmem:s19+$0xFFFFFFB0]  }
0x7d: {  	v60 =	vadd.s32 v3, v30;
	v59 =	vadd.f32 v18, v4;
	[tilespmem:v50+s28+$0x0] =	vst.idx.msk $0xffff, v56  }
0x7e: {  	v62 =	vadd.s32 v3, v13;
	[tilespmem:v48+s28+$0x0] =	vst.idx.msk $0xffff, v54;
	v61 =	vadd.f32 v12, v4  }
0x7f: {  	[tilespmem:v52+s28+$0x0] =	vst.idx.msk $0xffff, v59;
	v63 =	vadd.f32 v53, v4  }
0x80: {  	s22 =	sshll.u32 s7, $0x14;
	[tilespmem:v55+s28+$0x0] =	vst.idx.msk $0xffff, v61;
	v5 =	vadd.f32 v5, v4  }
0x81: {  	s6 =	sor.u32 s9, s22;
	v4 =	vadd.f32 v57, v4;
	[tilespmem:v58+s28+$0x0] =	vst.idx.msk $0xffff, v63  }
0x82: {  	s15 =	sshrl.u32 s6, $0x3;
	[tilespmem:v60+s28+$0x0] =	vst.idx.msk $0xffff, v5  }
0x83: {  	s23 =	simm.s32 $0xE500;
	s20 =	sadd.s32 s2, s15;
	[tilespmem:v62+s28+$0x0] =	vst.idx.msk $0xffff, v4  }
0x84: {  	[hbm4b:s20+s3] =	stream.linear.scatter [tilespmem:s23], [sflag:$0x9], $0x80, $0x38;
	[tilespmem:$0x16D00] =	vst v63  }
0x85: {  	s21 =	sadd.s32 $0x10, s20;
	s19 =	simm.s32 $0xE588  }
0x86: {  	[hbm4b:s21+s3] =	stream.linear.scatter [tilespmem:s19], [sflag:$0x9], $0x80, $0x38;
	[tilespmem:$0x16D00] =	vst v63  }
0x87: {  	s22 =	simm.s32 $0xE610;
	s23 =	sadd.s32 $0x20, s20  }
0x88: {  	[hbm4b:s23+s3] =	stream.linear.scatter [tilespmem:s22], [sflag:$0x9], $0x80, $0x38;
	[tilespmem:$0x16D00] =	vst v63  }
0x89: {  	s19 =	simm.s32 $0xE698;
	s21 =	sadd.s32 $0x30, s20  }
0x8a: {  	[hbm4b:s21+s3] =	stream.linear.scatter [tilespmem:s19], [sflag:$0x9], $0x80, $0x38;
	[tilespmem:$0x16D00] =	vst v63  }
0x8b: {  	s22 =	simm.s32 $0xE720;
	s23 =	sadd.s32 $0x40, s20  }
0x8c: {  	[hbm4b:s23+s3] =	stream.linear.scatter [tilespmem:s22], [sflag:$0x9], $0x80, $0x38;
	[tilespmem:$0x16D00] =	vst v63  }
0x8d: {  	s6 =	sadd.s32 $0x70, s20;
	s19 =	simm.s32 $0xE7A8;
	s21 =	sadd.s32 $0x50, s20  }
0x8e: {  	[hbm4b:s21+s3] =	stream.linear.scatter [tilespmem:s19], [sflag:$0x9], $0x80, $0x38;
	[tilespmem:$0x16D00] =	vst v63  }
0x8f: {  	s22 =	simm.s32 $0xE830;
	s23 =	sadd.s32 $0x60, s20;
	s20 =	sadd.s32 $0x1000, s20  }
0x90: {  	[hbm4b:s23+s3] =	stream.linear.scatter [tilespmem:s22], [sflag:$0x9], $0x80, $0x38;
	[tilespmem:$0x16D00] =	vst v63  }
0x91: {  	s19 =	simm.s32 $0x440;
	s21 =	simm.s32 $0x2200;
	s22 =	simm.s32 $0xE8B8  }
.LBB2_5:
0x92: {  	[hbm4b:s6+s3] =	stream.linear.scatter [tilespmem:s22], [sflag:$0x9], $0x80, $0x38;
	[tilespmem:$0x16D00] =	vst v63  }
0x93: {  	s6 =	smov.u32 s19;
	s19 =	smov.u32 s21  }
0x94: {  	s23 =	sadd.s32 $0x1100, s21;
	s19 =	sshra.s32 s19, $0x2;
	s22 =	sadd.s32 $0xE500, s6  }
0x95: {  	[hbm4b:s20+s3] =	stream.linear.scatter [tilespmem:s22], [sflag:$0x9], $0x80, $0x38;
	[tilespmem:$0x16D00] =	vst v63  }
0x96: {  	p1 =	sne.s32 s21, $0x7700;
	s21 =	sadd.s32 $0xE588, s6;
	s22 =	sadd.s32 $0x10, s20  }
0x97: {  	[hbm4b:s22+s3] =	stream.linear.scatter [tilespmem:s21], [sflag:$0x9], $0x80, $0x38;
	[tilespmem:$0x16D00] =	vst v63  }
0x98: {  	s21 =	sadd.s32 $0xE610, s6;
	s22 =	sadd.s32 $0x20, s20  }
0x99: {  	[hbm4b:s22+s3] =	stream.linear.scatter [tilespmem:s21], [sflag:$0x9], $0x80, $0x38;
	[tilespmem:$0x16D00] =	vst v63  }
0x9a: {  	s21 =	sadd.s32 $0xE698, s6;
	s22 =	sadd.s32 $0x30, s20  }
0x9b: {  	[hbm4b:s22+s3] =	stream.linear.scatter [tilespmem:s21], [sflag:$0x9], $0x80, $0x38;
	[tilespmem:$0x16D00] =	vst v63  }
0x9c: {  	s21 =	sadd.s32 $0xE720, s6;
	s22 =	sadd.s32 $0x40, s20  }
0x9d: {  	[hbm4b:s22+s3] =	stream.linear.scatter [tilespmem:s21], [sflag:$0x9], $0x80, $0x38;
	[tilespmem:$0x16D00] =	vst v63  }
0x9e: {  	s21 =	sadd.s32 $0xE7A8, s6;
	s22 =	sadd.s32 $0x50, s20  }
0x9f: {  	[hbm4b:s22+s3] =	stream.linear.scatter [tilespmem:s21], [sflag:$0x9], $0x80, $0x38;
	[tilespmem:$0x16D00] =	vst v63  }
.Ltmp1:
0xa0: {  	_ = 	snop;
	(pc) =	sbr.rel @p1 .LBB2_5-.Ltmp1, $4  }
0xa1: {  	s21 =	sadd.s32 $0xE830, s6;
	s22 =	sadd.s32 $0x60, s20  }
0xa2: {  	[hbm4b:s22+s3] =	stream.linear.scatter [tilespmem:s21], [sflag:$0x9], $0x80, $0x38;
	[tilespmem:$0x16D00] =	vst v63  }
0xa3: {  	s22 =	sadd.s32 $0xE8B8, s6  }
0xa4: {  	s6 =	sadd.s32 $0x70, s20;
	s20 =	sadd.s32 $0x1000, s20;
	s21 =	smov.u32 s23  }
0xa5: {  	[hbm4b:s6+s3] =	stream.linear.scatter [tilespmem:s22], [sflag:$0x9], $0x80, $0x38;
	[tilespmem:$0x16D00] =	vst v63  }
0xa6: {  	s22 =	sadd.s32 $0xE500, s19  }
0xa7: {  	[hbm4b:s20+s3] =	stream.linear.scatter [tilespmem:s22], [sflag:$0x9], $0x80, $0x38;
	[tilespmem:$0x16D00] =	vst v63  }
0xa8: {  	s23 =	sadd.s32 $0xE588, s19;
	s21 =	sadd.s32 $0x10, s20  }
0xa9: {  	[hbm4b:s21+s3] =	stream.linear.scatter [tilespmem:s23], [sflag:$0x9], $0x80, $0x38;
	[tilespmem:$0x16D00] =	vst v63  }
0xaa: {  	s22 =	sadd.s32 $0xE610, s19;
	s23 =	sadd.s32 $0x20, s20  }
0xab: {  	[hbm4b:s23+s3] =	stream.linear.scatter [tilespmem:s22], [sflag:$0x9], $0x80, $0x38;
	[tilespmem:$0x16D00] =	vst v63  }
0xac: {  	s22 =	sadd.s32 $0xE698, s19;
	s23 =	sadd.s32 $0x30, s20  }
0xad: {  	[hbm4b:s23+s3] =	stream.linear.scatter [tilespmem:s22], [sflag:$0x9], $0x80, $0x38;
	[tilespmem:$0x16D00] =	vst v63  }
0xae: {  	s22 =	sadd.s32 $0xE720, s19;
	s23 =	sadd.s32 $0x40, s20  }
0xaf: {  	[hbm4b:s23+s3] =	stream.linear.scatter [tilespmem:s22], [sflag:$0x9], $0x80, $0x38;
	[tilespmem:$0x16D00] =	vst v63  }
0xb0: {  	s22 =	sadd.s32 $0xE7A8, s19;
	s23 =	sadd.s32 $0x50, s20  }
0xb1: {  	[hbm4b:s23+s3] =	stream.linear.scatter [tilespmem:s22], [sflag:$0x9], $0x80, $0x38;
	[tilespmem:$0x16D00] =	vst v63  }
0xb2: {  	p1 =	seq.s32 s7, $0x31;
	s22 =	sadd.s32 $0xE830, s19;
	s23 =	sadd.s32 $0x60, s20  }
0xb3: {  	[hbm4b:s23+s3] =	stream.linear.scatter [tilespmem:s22], [sflag:$0x9], $0x80, $0x38;
	[tilespmem:$0x16D00] =	vst v63  }
0xb4: {  	s6 =	sadd.s32 @!p1 $0x4, s12;
	s19 =	sadd.s32 $0xE8B8, s19;
	s20 =	sadd.s32 $0x70, s20  }
0xb5: {  	[hbm4b:s20+s3] =	stream.linear.scatter [tilespmem:s19], [sflag:$0x9], $0x80, $0x38;
	[tilespmem:$0x16D00] =	vst v63  }
0xb6: {  	s21 =	simm.s32 @!p1 $0x6400;
	s19 =	sshll.u32 @!p1 s6, $0x7  }
0xb7: {  	s20 =	simm.s32 @!p1 $0x80;
	s6 =	sshll.u32 @!p1 s6, $0x3;
	s19 =	sand.u32 @!p1 $0x3FFFFF80, s19  }
0xb8: {  	[tilespmem:s21], [sflag:$0x1] =	stream.indirect.gather @!p1 [hbm4b:s5+s20], $0x40, s19, s20, $0xb8;
	[tilespmem:$0x16D00] =	vst v63  }
0xb9: {  	s6 =	sadd.s32 @!p1 s4, s6;
	s19 =	simm.s32 @!p1 $0x0;
	s20 =	simm.s32 @!p1 $0xE400  }
0xba: {  	[tilespmem:s20], [sflag:$0x5] =	stream.linear.gather @!p1 [hbm4b:s6+s19], $0x40, $0x38;
	[tilespmem:$0x16D00] =	vst v63  }
0xbb: {  	_ =	swait.ge [sflag:s29], $0x2000  }
0xbc: {  	[sflag:s29] =	ssyncset.done $0x0  }
0xbd: {  	[sflag:s29] =	ssyncadd.s32 $0xFFFFE000  }
0xbe: {  	_ =	swait.ge [sflag:s30], $0x40  }
0xbf: {  	[sflag:s30] =	ssyncset.done $0x0  }
0xc0: {  	s6 =	simm.s32 @!p0 $0xA;
	[sflag:s30] =	ssyncadd.s32 $0xFFFFFFC0  }
0xc1: {  	_ =	swait.ge @!p0 [sflag:s6], $0x2000  }
0xc2: {  	[sflag:s6] =	ssyncset.done @!p0 $0x0  }
0xc3: {  	[sflag:s6] =	ssyncadd.s32 @!p0 $0xFFFFE000  }
0xc4: {  	s22 =	simm.s32 $0x8480;
	s21 =	simm.s32 $0x3;
	v9 =	vld [tilespmem:$0xE440]  }
0xc5: {  	v4 =	vmov s21;
	v7 =	vld [tilespmem:s22+$0x40]  }
0xc6: {  	v13 =	vand.u32 $0x7F, v4  }
0xc7: {  	s23 =	simm.s32 $0x0;
	v8 =	vadd.s32 v0, v13;
	v6 =	vld [tilespmem:$0xE450]  }
0xc8: {  	v4 =	vmov s23;
	s19 =	simm.s32 $0x1;
	s20 =	simm.s32 $0x2;
	v10 =	vld [tilespmem:s22+$0xFFFFFF80]  }
0xc9: {  	v12 =	vand.u32 $0x7C, v4;
	v4 =	vmov s19;
	v14 =	vmov s20;
	v11 =	vld [tilespmem:s22+$0xFFFFFFC0]  }
0xca: {  	v15 =	vadd.s32 v0, v12;
	v19 =	vand.u32 $0x7D, v4;
	v16 =	vld [tilespmem:s22+$0x0];
	v7 =	vadd.f32 v7, v9  }
0xcb: {  	v20 =	vand.u32 $0x7E, v14;
	v17 =	vadd.s32 v0, v19;
	v5 =	vld [tilespmem:$0xE460]  }
0xcc: {  	v14 =	vadd.s32 v0, v20;
	v4 =	vld [tilespmem:$0xE470];
	[tilespmem:v8+s31+$0x0] =	vst.idx.msk $0xffff, v7  }
0xcd: {  	v7 =	vadd.f32 v10, v9;
	v8 =	vld [tilespmem:s22+$0x50]  }
0xce: {  	v10 =	vadd.f32 v11, v9  }
0xcf: {  	v11 =	vadd.s32 v1, v13;
	[tilespmem:v15+s31+$0x0] =	vst.idx.msk $0xffff, v7;
	v7 =	vadd.f32 v16, v9  }
0xd0: {  	[tilespmem:v17+s31+$0x0] =	vst.idx.msk $0xffff, v10;
	v15 =	vld [tilespmem:s22+$0xFFFFFF90]  }
0xd1: {  	v10 =	vld [tilespmem:s22+$0xFFFFFFD0];
	[tilespmem:v14+s31+$0x0] =	vst.idx.msk $0xffff, v7  }
0xd2: {  	v14 =	vld [tilespmem:s22+$0x10];
	v7 =	vadd.f32 v8, v6  }
0xd3: {  	s23 =	simm.s32 $0x7;
	s19 =	simm.s32 $0x8580;
	v16 =	vadd.s32 v1, v19  }
0xd4: {  	s21 =	simm.s32 $0x4;
	v26 =	vadd.s32 v2, v13;
	v18 =	vld [tilespmem:s19+$0x40];
	v17 =	vadd.s32 v1, v20;
	[tilespmem:v11+s31+$0x0] =	vst.idx.msk $0xffff, v7;
	v7 =	vmov s23  }
0xd5: {  	v21 =	vadd.s32 v1, v12;
	v8 =	vmov s21;
	v7 =	vand.u32 $0x7F, v7;
	v22 =	vld [tilespmem:s22+$0x60]  }
0xd6: {  	s20 =	simm.s32 $0x5;
	v23 =	vld [tilespmem:s19+$0xFFFFFF80];
	v8 =	vand.u32 $0x7C, v8;
	v10 =	vadd.f32 v10, v6;
	v24 =	vadd.s32 v0, v7  }
0xd7: {  	v25 =	vld [tilespmem:s19+$0xFFFFFFC0];
	s21 =	simm.s32 $0x6;
	v15 =	vadd.f32 v15, v6;
	v11 =	vadd.f32 v14, v6;
	v14 =	vmov s20  }
0xd8: {  	v27 =	vadd.s32 v0, v8;
	[tilespmem:v16+s31+$0x0] =	vst.idx.msk $0xffff, v10;
	v16 =	vmov s21;
	v10 =	vand.u32 $0x7D, v14;
	v14 =	vld [tilespmem:s19+$0x0]  }
0xd9: {  	[tilespmem:v17+s31+$0x0] =	vst.idx.msk $0xffff, v11;
	v17 =	vadd.s32 v0, v10;
	v11 =	vand.u32 $0x7E, v16;
	v16 =	vadd.f32 v18, v9;
	v18 =	vld [tilespmem:s22+$0xFFFFFFE0]  }
0xda: {  	[tilespmem:v21+s31+$0x0] =	vst.idx.msk $0xffff, v15;
	v15 =	vadd.s32 v0, v11;
	v21 =	vld [tilespmem:s22+$0x20];
	v22 =	vadd.f32 v22, v5  }
0xdb: {  	v23 =	vadd.f32 v23, v9;
	[tilespmem:v24+s31+$0x0] =	vst.idx.msk $0xffff, v16;
	v16 =	vld [tilespmem:s22+$0xFFFFFFA0];
	v24 =	vadd.s32 v2, v19  }
0xdc: {  	v29 =	vadd.s32 v2, v20;
	v25 =	vadd.f32 v25, v9;
	v28 =	vld [tilespmem:s19+$0x50];
	[tilespmem:v26+s31+$0x0] =	vst.idx.msk $0xffff, v22  }
0xdd: {  	[tilespmem:v27+s31+$0x0] =	vst.idx.msk $0xffff, v23;
	v23 =	vadd.s32 v2, v12;
	v14 =	vadd.f32 v14, v9;
	v26 =	vld [tilespmem:s22+$0x70]  }
0xde: {  	v27 =	vld [tilespmem:s19+$0xFFFFFF90];
	[tilespmem:v17+s31+$0x0] =	vst.idx.msk $0xffff, v25;
	v25 =	vadd.s32 v1, v7;
	v18 =	vadd.f32 v18, v5  }
0xdf: {  	v31 =	vadd.s32 v3, v13;
	v30 =	vld [tilespmem:s19+$0xFFFFFFD0];
	[tilespmem:v15+s31+$0x0] =	vst.idx.msk $0xffff, v14;
	v14 =	vadd.f32 v21, v5  }
0xe0: {  	v22 =	vadd.s32 v1, v8;
	v17 =	vld [tilespmem:s19+$0x10];
	v13 =	vadd.f32 v16, v5;
	[tilespmem:v24+s31+$0x0] =	vst.idx.msk $0xffff, v18  }
0xe1: {  	s21 =	simm.s32 $0x8;
	v21 =	vadd.s32 v1, v10;
	[tilespmem:v29+s31+$0x0] =	vst.idx.msk $0xffff, v14;
	v18 =	vadd.f32 v28, v6;
	v16 =	vld [tilespmem:s22+$0xFFFFFFF0]  }
0xe2: {  	v24 =	vmov s21;
	v14 =	vadd.s32 v1, v11;
	v15 =	vld [tilespmem:s22+$0x30];
	[tilespmem:v23+s31+$0x0] =	vst.idx.msk $0xffff, v13;
	v63 =	vadd.f32 v26, v4  }
0xe3: {  	s23 =	simm.s32 $0xB;
	s20 =	simm.s32 $0x8680;
	v19 =	vadd.s32 v3, v19;
	v13 =	vand.u32 $0x7C, v24;
	v24 =	vadd.f32 v27, v6;
	[tilespmem:v25+s31+$0x0] =	vst.idx.msk $0xffff, v18;
	v18 =	vld [tilespmem:s22+$0xFFFFFFB0]  }
0xe4: {  	v20 =	vadd.s32 v3, v20;
	v26 =	vmov s23;
	v23 =	vld [tilespmem:s20+$0x40];
	s22 =	simm.s32 $0xC;
	v25 =	vadd.f32 v30, v6;
	[tilespmem:v31+s31+$0x0] =	vst.idx.msk $0xffff, v63  }
.LBB2_7:
0xe5: {  	p2 =	slt.u32 s22, $0x7C;
	s6 =	sadd.s32 $0x1, s21;
	v26 =	vand.u32 $0x7F, v26;
	[tilespmem:v22+s31+$0x0] =	vst.idx.msk $0xffff, v24;
	v17 =	vadd.f32 v17, v6;
	v22 =	vld [tilespmem:s19+$0x60];
	v24 =	vadd.s32 v3, v12  }
0xe6: {  	v30 =	vmovc v11;
	v27 =	vld [tilespmem:s20+$0xFFFFFF80];
	v28 =	vmov s6;
	s6 =	sadd.s32 $0x2, s21;
	v29 =	vadd.s32 v0, v26;
	[tilespmem:v21+s31+$0x0] =	vst.idx.msk $0xffff, v25;
	v16 =	vadd.f32 v16, v4;
	s21 =	smov.u32 s22  }
0xe7: {  	v12 =	vmovc v8;
	v21 =	vld [tilespmem:s20+$0xFFFFFFC0];
	v11 =	vmov s6;
	[tilespmem:v14+s31+$0x0] =	vst.idx.msk $0xffff, v17;
	v14 =	vadd.s32 v2, v7;
	v15 =	vadd.f32 v15, v4  }
0xe8: {  	v17 =	vadd.s32 v0, v13;
	v28 =	vand.u32 $0x7D, v28;
	v25 =	vld [tilespmem:s20+$0x0];
	v31 =	vadd.f32 v18, v4;
	[tilespmem:v19+s31+$0x0] =	vst.idx.msk $0xffff, v16  }
0xe9: {  	v16 =	vadd.s32 v0, v28;
	v11 =	vand.u32 $0x7E, v11;
	v18 =	vadd.f32 v23, v9;
	v19 =	vld [tilespmem:s19+$0xFFFFFFE0];
	[tilespmem:v20+s31+$0x0] =	vst.idx.msk $0xffff, v15  }
0xea: {  	v8 =	vmov v13;
	v15 =	vadd.s32 v0, v11;
	v20 =	vld [tilespmem:s19+$0x20];
	v22 =	vadd.f32 v22, v5;
	[tilespmem:v24+s31+$0x0] =	vst.idx.msk $0xffff, v31  }
0xeb: {  	v23 =	vadd.s32 v2, v10;
	v13 =	vadd.f32 v27, v9;
	[tilespmem:v29+s31+$0x0] =	vst.idx.msk $0xffff, v18;
	v18 =	vld [tilespmem:s19+$0xFFFFFFA0]  }
0xec: {  	v27 =	vadd.s32 v2, v30;
	v21 =	vadd.f32 v21, v9;
	v24 =	vld [tilespmem:s20+$0x50];
	[tilespmem:v14+s31+$0x0] =	vst.idx.msk $0xffff, v22  }
0xed: {  	[tilespmem:v17+s31+$0x0] =	vst.idx.msk $0xffff, v13;
	v13 =	vadd.f32 v25, v9;
	v25 =	vadd.s32 v2, v12;
	v29 =	vld [tilespmem:s19+$0x70]  }
0xee: {  	v32 =	vadd.s32 v1, v26;
	v31 =	vld [tilespmem:s20+$0xFFFFFF90];
	[tilespmem:v16+s31+$0x0] =	vst.idx.msk $0xffff, v21;
	v14 =	vadd.f32 v19, v5  }
0xef: {  	v34 =	vadd.s32 v3, v7;
	v7 =	vmov v26;
	v33 =	vld [tilespmem:s20+$0xFFFFFFD0];
	[tilespmem:v15+s31+$0x0] =	vst.idx.msk $0xffff, v13;
	v13 =	vadd.f32 v20, v5  }
.Ltmp2:
0xf0: {  	v22 =	vadd.s32 v1, v8;
	v17 =	vld [tilespmem:s20+$0x10];
	v15 =	vadd.f32 v18, v5;
	[tilespmem:v23+s31+$0x0] =	vst.idx.msk $0xffff, v14;
	(pc) =	sbr.rel @p2 .LBB2_7-.Ltmp2, $4  }
0xf1: {  	v21 =	vadd.s32 v1, v28;
	v18 =	vadd.f32 v24, v6;
	v16 =	vld [tilespmem:s19+$0xFFFFFFF0];
	[tilespmem:v27+s31+$0x0] =	vst.idx.msk $0xffff, v13  }
0xf2: {  	v14 =	vadd.s32 v1, v11;
	v13 =	vmov s22;
	[tilespmem:v25+s31+$0x0] =	vst.idx.msk $0xffff, v15;
	v15 =	vld [tilespmem:s19+$0x30];
	v27 =	vadd.f32 v29, v4  }
0xf3: {  	s6 =	sadd.s32 $0x3, s22;
	v19 =	vadd.s32 v3, v10;
	v13 =	vand.u32 $0x7C, v13;
	v24 =	vadd.f32 v31, v6;
	[tilespmem:v32+s31+$0x0] =	vst.idx.msk $0xffff, v18;
	v18 =	vld [tilespmem:s19+$0xFFFFFFB0];
	s19 =	smov.u32 s20;
	s20 =	sadd.s32 $0x100, s20  }
0xf4: {  	v26 =	vmov s6;
	v10 =	vmovc v28;
	v20 =	vadd.s32 v3, v30;
	s22 =	sadd.s32 $0x4, s22;
	v23 =	vld [tilespmem:s20+$0x40];
	v25 =	vadd.f32 v33, v6;
	[tilespmem:v34+s31+$0x0] =	vst.idx.msk $0xffff, v27  }
0xf5: {  	s6 =	sadd.s32 $0x1, s21  }
0xf6: {  	v26 =	vand.u32 $0x7F, v26;
	s22 =	sadd.s32 $0x2, s21;
	v28 =	vld [tilespmem:s20+$0xFFFFFFC0];
	v27 =	vmov s6  }
0xf7: {  	v31 =	vld [tilespmem:s20+$0x0];
	v29 =	vadd.s32 v0, v26;
	v30 =	vmov s22;
	v27 =	vand.u32 $0x7D, v27  }
0xf8: {  	v32 =	vld [tilespmem:s20+$0xFFFFFF80];
	v30 =	vand.u32 $0x7E, v30;
	v33 =	vadd.s32 v0, v27  }
0xf9: {  	v34 =	vadd.s32 v0, v30  }
0xfa: {  	[tilespmem:v22+s31+$0x0] =	vst.idx.msk $0xffff, v24;
	v44 =	vadd.s32 v0, v13;
	v23 =	vadd.f32 v23, v9  }
0xfb: {  	[tilespmem:v21+s31+$0x0] =	vst.idx.msk $0xffff, v25;
	v45 =	vadd.f32 v28, v9  }
0xfc: {  	v46 =	vadd.f32 v31, v9;
	[tilespmem:v29+s31+$0x0] =	vst.idx.msk $0xffff, v23  }
0xfd: {  	v47 =	vadd.f32 v32, v9;
	v48 =	vld [tilespmem:s20+$0x50];
	[tilespmem:v33+s31+$0x0] =	vst.idx.msk $0xffff, v45  }
0xfe: {  	v17 =	vadd.f32 v17, v6;
	v12 =	vadd.s32 v3, v12;
	[tilespmem:v34+s31+$0x0] =	vst.idx.msk $0xffff, v46;
	v21 =	vld [tilespmem:s20+$0xFFFFFFD0]  }
0xff: {  	v16 =	vadd.f32 v16, v4;
	v49 =	vadd.s32 v1, v26;
	[tilespmem:v44+s31+$0x0] =	vst.idx.msk $0xffff, v47;
	v50 =	vld [tilespmem:s20+$0x10]  }
0x100: {  	[tilespmem:v14+s31+$0x0] =	vst.idx.msk $0xffff, v17;
	v51 =	vadd.f32 v15, v4;
	v53 =	vadd.s32 v1, v27;
	v52 =	vld [tilespmem:s20+$0xFFFFFF90]  }
0x101: {  	v54 =	vld [tilespmem:s19+$0x60];
	v18 =	vadd.f32 v18, v4;
	[tilespmem:v19+s31+$0x0] =	vst.idx.msk $0xffff, v16;
	v55 =	vadd.s32 v1, v30  }
0x102: {  	v57 =	vadd.s32 v1, v13;
	v60 =	vld [tilespmem:s19+$0x20];
	[tilespmem:v20+s31+$0x0] =	vst.idx.msk $0xffff, v51;
	v58 =	vadd.f32 v48, v6  }
0x103: {  	v59 =	vadd.s32 v2, v7;
	v56 =	vld [tilespmem:s19+$0xFFFFFFE0];
	[tilespmem:v12+s31+$0x0] =	vst.idx.msk $0xffff, v18;
	v61 =	vadd.f32 v21, v6  }
0x104: {  	v62 =	vld [tilespmem:s19+$0xFFFFFFA0];
	v29 =	vadd.s32 v2, v11;
	[tilespmem:v49+s31+$0x0] =	vst.idx.msk $0xffff, v58;
	v28 =	vadd.f32 v50, v6  }
0x105: {  	v63 =	vadd.s32 v2, v10;
	v31 =	vadd.f32 v52, v6;
	v32 =	vld [tilespmem:s20+$0x60];
	[tilespmem:v53+s31+$0x0] =	vst.idx.msk $0xffff, v61  }
0x106: {  	v33 =	vadd.f32 v54, v5;
	v34 =	vadd.s32 v2, v8;
	[tilespmem:v55+s31+$0x0] =	vst.idx.msk $0xffff, v28;
	v35 =	vld [tilespmem:s20+$0xFFFFFFE0]  }
0x107: {  	v37 =	vadd.s32 v2, v26;
	v39 =	vadd.f32 v60, v5;
	[tilespmem:v57+s31+$0x0] =	vst.idx.msk $0xffff, v31;
	v38 =	vld [tilespmem:s20+$0x20]  }
0x108: {  	v41 =	vadd.s32 v2, v27;
	v36 =	vadd.f32 v56, v5;
	[tilespmem:v59+s31+$0x0] =	vst.idx.msk $0xffff, v33;
	v40 =	vld [tilespmem:s20+$0xFFFFFFA0]  }
0x109: {  	v43 =	vadd.s32 v2, v30;
	v18 =	vadd.f32 v62, v5;
	v42 =	vld [tilespmem:s19+$0x70];
	[tilespmem:v29+s31+$0x0] =	vst.idx.msk $0xffff, v39  }
0x10a: {  	v45 =	vadd.s32 v2, v13;
	[tilespmem:v63+s31+$0x0] =	vst.idx.msk $0xffff, v36;
	v47 =	vld [tilespmem:s19+$0x30];
	v44 =	vadd.f32 v32, v5  }
0x10b: {  	v46 =	vadd.s32 v3, v7;
	[tilespmem:v34+s31+$0x0] =	vst.idx.msk $0xffff, v18;
	v21 =	vld [tilespmem:s19+$0xFFFFFFF0];
	v9 =	vadd.f32 v35, v5  }
0x10c: {  	v18 =	vld [tilespmem:s19+$0xFFFFFFB0];
	v50 =	vadd.s32 v3, v11;
	[tilespmem:v37+s31+$0x0] =	vst.idx.msk $0xffff, v44;
	v49 =	vadd.f32 v38, v5  }
0x10d: {  	v48 =	vadd.s32 v3, v10;
	v5 =	vadd.f32 v40, v5;
	v12 =	vld [tilespmem:s20+$0x70];
	[tilespmem:v41+s31+$0x0] =	vst.idx.msk $0xffff, v9  }
0x10e: {  	v52 =	vadd.s32 v3, v8;
	v51 =	vadd.f32 v42, v4;
	[tilespmem:v43+s31+$0x0] =	vst.idx.msk $0xffff, v49;
	v53 =	vld [tilespmem:s20+$0xFFFFFFF0]  }
0x10f: {  	v55 =	vadd.s32 v3, v26;
	v56 =	vadd.f32 v47, v4;
	[tilespmem:v45+s31+$0x0] =	vst.idx.msk $0xffff, v5;
	v5 =	vld [tilespmem:s20+$0x30]  }
0x110: {  	v58 =	vadd.s32 v3, v27;
	[tilespmem:v46+s31+$0x0] =	vst.idx.msk $0xffff, v51;
	v54 =	vadd.f32 v21, v4;
	v57 =	vld [tilespmem:s20+$0xFFFFFFB0]  }
0x111: {  	v60 =	vadd.s32 v3, v30;
	v59 =	vadd.f32 v18, v4;
	[tilespmem:v50+s31+$0x0] =	vst.idx.msk $0xffff, v56  }
0x112: {  	v62 =	vadd.s32 v3, v13;
	[tilespmem:v48+s31+$0x0] =	vst.idx.msk $0xffff, v54;
	v61 =	vadd.f32 v12, v4  }
0x113: {  	[tilespmem:v52+s31+$0x0] =	vst.idx.msk $0xffff, v59;
	v63 =	vadd.f32 v53, v4  }
0x114: {  	[tilespmem:v55+s31+$0x0] =	vst.idx.msk $0xffff, v61;
	v5 =	vadd.f32 v5, v4  }
0x115: {  	v4 =	vadd.f32 v57, v4;
	[tilespmem:v58+s31+$0x0] =	vst.idx.msk $0xffff, v63  }
0x116: {  	[tilespmem:v60+s31+$0x0] =	vst.idx.msk $0xffff, v5  }
0x117: {  	s23 =	simm.s32 $0x10700;
	s20 =	sadd.s32 s15, s10;
	[tilespmem:v62+s31+$0x0] =	vst.idx.msk $0xffff, v4  }
0x118: {  	[hbm4b:s20+s3] =	stream.linear.scatter [tilespmem:s23], [sflag:$0xA], $0x80, $0x38;
	[tilespmem:$0x16D00] =	vst v63  }
0x119: {  	s19 =	simm.s32 $0x10788;
	s21 =	sadd.s32 $0x10, s20  }
0x11a: {  	[hbm4b:s21+s3] =	stream.linear.scatter [tilespmem:s19], [sflag:$0xA], $0x80, $0x38;
	[tilespmem:$0x16D00] =	vst v63  }
0x11b: {  	s22 =	simm.s32 $0x10810;
	s23 =	sadd.s32 $0x20, s20  }
0x11c: {  	[hbm4b:s23+s3] =	stream.linear.scatter [tilespmem:s22], [sflag:$0xA], $0x80, $0x38;
	[tilespmem:$0x16D00] =	vst v63  }
0x11d: {  	s19 =	simm.s32 $0x10898;
	s21 =	sadd.s32 $0x30, s20  }
0x11e: {  	[hbm4b:s21+s3] =	stream.linear.scatter [tilespmem:s19], [sflag:$0xA], $0x80, $0x38;
	[tilespmem:$0x16D00] =	vst v63  }
0x11f: {  	s22 =	simm.s32 $0x10920;
	s23 =	sadd.s32 $0x40, s20  }
0x120: {  	[hbm4b:s23+s3] =	stream.linear.scatter [tilespmem:s22], [sflag:$0xA], $0x80, $0x38;
	[tilespmem:$0x16D00] =	vst v63  }
0x121: {  	s6 =	sadd.s32 $0x70, s20;
	s19 =	simm.s32 $0x109A8;
	s21 =	sadd.s32 $0x50, s20  }
0x122: {  	[hbm4b:s21+s3] =	stream.linear.scatter [tilespmem:s19], [sflag:$0xA], $0x80, $0x38;
	[tilespmem:$0x16D00] =	vst v63  }
0x123: {  	s22 =	simm.s32 $0x10A30;
	s23 =	sadd.s32 $0x60, s20;
	s20 =	sadd.s32 $0x1000, s20  }
0x124: {  	[hbm4b:s23+s3] =	stream.linear.scatter [tilespmem:s22], [sflag:$0xA], $0x80, $0x38;
	[tilespmem:$0x16D00] =	vst v63  }
0x125: {  	s19 =	simm.s32 $0x440;
	s21 =	simm.s32 $0x2200;
	s22 =	simm.s32 $0x10AB8  }
.LBB2_9:
0x126: {  	[hbm4b:s6+s3] =	stream.linear.scatter [tilespmem:s22], [sflag:$0xA], $0x80, $0x38;
	[tilespmem:$0x16D00] =	vst v63  }
0x127: {  	s6 =	smov.u32 s19;
	s19 =	smov.u32 s21  }
0x128: {  	s23 =	sadd.s32 $0x1100, s21;
	s19 =	sshra.s32 s19, $0x2;
	s22 =	sadd.s32 $0x10700, s6  }
0x129: {  	[hbm4b:s20+s3] =	stream.linear.scatter [tilespmem:s22], [sflag:$0xA], $0x80, $0x38;
	[tilespmem:$0x16D00] =	vst v63  }
0x12a: {  	p2 =	sne.s32 s21, $0x7700;
	s21 =	sadd.s32 $0x10788, s6;
	s22 =	sadd.s32 $0x10, s20  }
0x12b: {  	[hbm4b:s22+s3] =	stream.linear.scatter [tilespmem:s21], [sflag:$0xA], $0x80, $0x38;
	[tilespmem:$0x16D00] =	vst v63  }
0x12c: {  	s21 =	sadd.s32 $0x10810, s6;
	s22 =	sadd.s32 $0x20, s20  }
0x12d: {  	[hbm4b:s22+s3] =	stream.linear.scatter [tilespmem:s21], [sflag:$0xA], $0x80, $0x38;
	[tilespmem:$0x16D00] =	vst v63  }
0x12e: {  	s21 =	sadd.s32 $0x10898, s6;
	s22 =	sadd.s32 $0x30, s20  }
0x12f: {  	[hbm4b:s22+s3] =	stream.linear.scatter [tilespmem:s21], [sflag:$0xA], $0x80, $0x38;
	[tilespmem:$0x16D00] =	vst v63  }
0x130: {  	s21 =	sadd.s32 $0x10920, s6;
	s22 =	sadd.s32 $0x40, s20  }
0x131: {  	[hbm4b:s22+s3] =	stream.linear.scatter [tilespmem:s21], [sflag:$0xA], $0x80, $0x38;
	[tilespmem:$0x16D00] =	vst v63  }
0x132: {  	s21 =	sadd.s32 $0x109A8, s6;
	s22 =	sadd.s32 $0x50, s20  }
0x133: {  	[hbm4b:s22+s3] =	stream.linear.scatter [tilespmem:s21], [sflag:$0xA], $0x80, $0x38;
	[tilespmem:$0x16D00] =	vst v63  }
.Ltmp3:
0x134: {  	_ = 	snop;
	(pc) =	sbr.rel @p2 .LBB2_9-.Ltmp3, $4  }
0x135: {  	s21 =	sadd.s32 $0x10A30, s6;
	s22 =	sadd.s32 $0x60, s20  }
0x136: {  	[hbm4b:s22+s3] =	stream.linear.scatter [tilespmem:s21], [sflag:$0xA], $0x80, $0x38;
	[tilespmem:$0x16D00] =	vst v63  }
0x137: {  	s22 =	sadd.s32 $0x10AB8, s6  }
0x138: {  	s6 =	sadd.s32 $0x70, s20;
	s20 =	sadd.s32 $0x1000, s20;
	s21 =	smov.u32 s23  }
0x139: {  	[hbm4b:s6+s3] =	stream.linear.scatter [tilespmem:s22], [sflag:$0xA], $0x80, $0x38;
	[tilespmem:$0x16D00] =	vst v63  }
0x13a: {  	s22 =	sadd.s32 $0x10700, s19  }
0x13b: {  	[hbm4b:s20+s3] =	stream.linear.scatter [tilespmem:s22], [sflag:$0xA], $0x80, $0x38;
	[tilespmem:$0x16D00] =	vst v63  }
0x13c: {  	s23 =	sadd.s32 $0x10788, s19;
	s21 =	sadd.s32 $0x10, s20  }
0x13d: {  	[hbm4b:s21+s3] =	stream.linear.scatter [tilespmem:s23], [sflag:$0xA], $0x80, $0x38;
	[tilespmem:$0x16D00] =	vst v63  }
0x13e: {  	s22 =	sadd.s32 $0x10810, s19;
	s23 =	sadd.s32 $0x20, s20  }
0x13f: {  	[hbm4b:s23+s3] =	stream.linear.scatter [tilespmem:s22], [sflag:$0xA], $0x80, $0x38;
	[tilespmem:$0x16D00] =	vst v63  }
0x140: {  	s22 =	sadd.s32 $0x10898, s19;
	s23 =	sadd.s32 $0x30, s20  }
0x141: {  	[hbm4b:s23+s3] =	stream.linear.scatter [tilespmem:s22], [sflag:$0xA], $0x80, $0x38;
	[tilespmem:$0x16D00] =	vst v63  }
0x142: {  	s22 =	sadd.s32 $0x10920, s19;
	s23 =	sadd.s32 $0x40, s20  }
0x143: {  	[hbm4b:s23+s3] =	stream.linear.scatter [tilespmem:s22], [sflag:$0xA], $0x80, $0x38;
	[tilespmem:$0x16D00] =	vst v63  }
0x144: {  	s22 =	sadd.s32 $0x109A8, s19;
	s23 =	sadd.s32 $0x50, s20  }
0x145: {  	[hbm4b:s23+s3] =	stream.linear.scatter [tilespmem:s22], [sflag:$0xA], $0x80, $0x38;
	[tilespmem:$0x16D00] =	vst v63  }
0x146: {  	s22 =	sadd.s32 $0x10A30, s19;
	s23 =	sadd.s32 $0x60, s20  }
0x147: {  	[hbm4b:s23+s3] =	stream.linear.scatter [tilespmem:s22], [sflag:$0xA], $0x80, $0x38;
	[tilespmem:$0x16D00] =	vst v63  }
0x148: {  	s6 =	sadd.s32 @!p1 $0x5, s12;
	s19 =	sadd.s32 $0x10AB8, s19;
	s20 =	sadd.s32 $0x70, s20  }
0x149: {  	[hbm4b:s20+s3] =	stream.linear.scatter [tilespmem:s19], [sflag:$0xA], $0x80, $0x38;
	[tilespmem:$0x16D00] =	vst v63  }
0x14a: {  	s21 =	simm.s32 @!p1 $0x8400;
	s19 =	sshll.u32 @!p1 s6, $0x7  }
0x14b: {  	s20 =	simm.s32 @!p1 $0x80;
	s6 =	sshll.u32 @!p1 s6, $0x3;
	s19 =	sand.u32 @!p1 $0x3FFFFF80, s19  }
0x14c: {  	[tilespmem:s21], [sflag:$0x2] =	stream.indirect.gather @!p1 [hbm4b:s5+s20], $0x40, s19, s20, $0xb8;
	[tilespmem:$0x16D00] =	vst v63  }
0x14d: {  	s6 =	sadd.s32 @!p1 s4, s6;
	s19 =	simm.s32 @!p1 $0x0;
	s20 =	simm.s32 @!p1 $0xE440  }
0x14e: {  	[tilespmem:s20], [sflag:$0x6] =	stream.linear.gather @!p1 [hbm4b:s6+s19], $0x40, $0x38;
	[tilespmem:$0x16D00] =	vst v63  }
0x14f: {  	_ =	swait.ge [sflag:s1], $0x2000  }
0x150: {  	[sflag:s1] =	ssyncset.done $0x0  }
0x151: {  	[sflag:s1] =	ssyncadd.s32 $0xFFFFE000  }
0x152: {  	_ =	swait.ge [sflag:s0], $0x40  }
0x153: {  	[sflag:s0] =	ssyncset.done $0x0  }
0x154: {  	s6 =	simm.s32 @!p0 $0xB;
	[sflag:s0] =	ssyncadd.s32 $0xFFFFFFC0  }
0x155: {  	_ =	swait.ge @!p0 [sflag:s6], $0x2000  }
0x156: {  	[sflag:s6] =	ssyncset.done @!p0 $0x0  }
0x157: {  	[sflag:s6] =	ssyncadd.s32 @!p0 $0xFFFFE000  }
0x158: {  	s22 =	simm.s32 $0xA480;
	s21 =	simm.s32 $0x3;
	v9 =	vld [tilespmem:$0xE480]  }
0x159: {  	v4 =	vmov s21;
	v7 =	vld [tilespmem:s22+$0x40]  }
0x15a: {  	v13 =	vand.u32 $0x7F, v4  }
0x15b: {  	s23 =	simm.s32 $0x0;
	v8 =	vadd.s32 v0, v13;
	v6 =	vld [tilespmem:$0xE490]  }
0x15c: {  	v4 =	vmov s23;
	s19 =	simm.s32 $0x1;
	s20 =	simm.s32 $0x2;
	v10 =	vld [tilespmem:s22+$0xFFFFFF80]  }
0x15d: {  	v12 =	vand.u32 $0x7C, v4;
	v4 =	vmov s19;
	v14 =	vmov s20;
	v11 =	vld [tilespmem:s22+$0xFFFFFFC0]  }
0x15e: {  	v15 =	vadd.s32 v0, v12;
	v19 =	vand.u32 $0x7D, v4;
	v16 =	vld [tilespmem:s22+$0x0];
	v7 =	vadd.f32 v7, v9  }
0x15f: {  	v20 =	vand.u32 $0x7E, v14;
	v17 =	vadd.s32 v0, v19;
	v5 =	vld [tilespmem:$0xE4A0]  }
0x160: {  	v14 =	vadd.s32 v0, v20;
	v4 =	vld [tilespmem:$0xE4B0];
	[tilespmem:v8+s14+$0x0] =	vst.idx.msk $0xffff, v7  }
0x161: {  	v7 =	vadd.f32 v10, v9;
	v8 =	vld [tilespmem:s22+$0x50]  }
0x162: {  	v10 =	vadd.f32 v11, v9  }
0x163: {  	v11 =	vadd.s32 v1, v13;
	[tilespmem:v15+s14+$0x0] =	vst.idx.msk $0xffff, v7;
	v7 =	vadd.f32 v16, v9  }
0x164: {  	[tilespmem:v17+s14+$0x0] =	vst.idx.msk $0xffff, v10;
	v15 =	vld [tilespmem:s22+$0xFFFFFF90]  }
0x165: {  	v10 =	vld [tilespmem:s22+$0xFFFFFFD0];
	[tilespmem:v14+s14+$0x0] =	vst.idx.msk $0xffff, v7  }
0x166: {  	v14 =	vld [tilespmem:s22+$0x10];
	v7 =	vadd.f32 v8, v6  }
0x167: {  	s23 =	simm.s32 $0x7;
	s19 =	simm.s32 $0xA580;
	v16 =	vadd.s32 v1, v19  }
0x168: {  	s21 =	simm.s32 $0x4;
	v26 =	vadd.s32 v2, v13;
	v18 =	vld [tilespmem:s19+$0x40];
	v17 =	vadd.s32 v1, v20;
	[tilespmem:v11+s14+$0x0] =	vst.idx.msk $0xffff, v7;
	v7 =	vmov s23  }
0x169: {  	v21 =	vadd.s32 v1, v12;
	v8 =	vmov s21;
	v7 =	vand.u32 $0x7F, v7;
	v22 =	vld [tilespmem:s22+$0x60]  }
0x16a: {  	s20 =	simm.s32 $0x5;
	v23 =	vld [tilespmem:s19+$0xFFFFFF80];
	v8 =	vand.u32 $0x7C, v8;
	v10 =	vadd.f32 v10, v6;
	v24 =	vadd.s32 v0, v7  }
0x16b: {  	v25 =	vld [tilespmem:s19+$0xFFFFFFC0];
	s21 =	simm.s32 $0x6;
	v15 =	vadd.f32 v15, v6;
	v11 =	vadd.f32 v14, v6;
	v14 =	vmov s20  }
0x16c: {  	v27 =	vadd.s32 v0, v8;
	[tilespmem:v16+s14+$0x0] =	vst.idx.msk $0xffff, v10;
	v16 =	vmov s21;
	v10 =	vand.u32 $0x7D, v14;
	v14 =	vld [tilespmem:s19+$0x0]  }
0x16d: {  	[tilespmem:v17+s14+$0x0] =	vst.idx.msk $0xffff, v11;
	v17 =	vadd.s32 v0, v10;
	v11 =	vand.u32 $0x7E, v16;
	v16 =	vadd.f32 v18, v9;
	v18 =	vld [tilespmem:s22+$0xFFFFFFE0]  }
0x16e: {  	[tilespmem:v21+s14+$0x0] =	vst.idx.msk $0xffff, v15;
	v15 =	vadd.s32 v0, v11;
	v21 =	vld [tilespmem:s22+$0x20];
	v22 =	vadd.f32 v22, v5  }
0x16f: {  	v23 =	vadd.f32 v23, v9;
	[tilespmem:v24+s14+$0x0] =	vst.idx.msk $0xffff, v16;
	v16 =	vld [tilespmem:s22+$0xFFFFFFA0];
	v24 =	vadd.s32 v2, v19  }
0x170: {  	v29 =	vadd.s32 v2, v20;
	v25 =	vadd.f32 v25, v9;
	v28 =	vld [tilespmem:s19+$0x50];
	[tilespmem:v26+s14+$0x0] =	vst.idx.msk $0xffff, v22  }
0x171: {  	[tilespmem:v27+s14+$0x0] =	vst.idx.msk $0xffff, v23;
	v23 =	vadd.s32 v2, v12;
	v14 =	vadd.f32 v14, v9;
	v26 =	vld [tilespmem:s22+$0x70]  }
0x172: {  	v27 =	vld [tilespmem:s19+$0xFFFFFF90];
	[tilespmem:v17+s14+$0x0] =	vst.idx.msk $0xffff, v25;
	v25 =	vadd.s32 v1, v7;
	v18 =	vadd.f32 v18, v5  }
0x173: {  	v31 =	vadd.s32 v3, v13;
	v30 =	vld [tilespmem:s19+$0xFFFFFFD0];
	[tilespmem:v15+s14+$0x0] =	vst.idx.msk $0xffff, v14;
	v14 =	vadd.f32 v21, v5  }
0x174: {  	v22 =	vadd.s32 v1, v8;
	v17 =	vld [tilespmem:s19+$0x10];
	v13 =	vadd.f32 v16, v5;
	[tilespmem:v24+s14+$0x0] =	vst.idx.msk $0xffff, v18  }
0x175: {  	s21 =	simm.s32 $0x8;
	v21 =	vadd.s32 v1, v10;
	[tilespmem:v29+s14+$0x0] =	vst.idx.msk $0xffff, v14;
	v18 =	vadd.f32 v28, v6;
	v16 =	vld [tilespmem:s22+$0xFFFFFFF0]  }
0x176: {  	v24 =	vmov s21;
	v14 =	vadd.s32 v1, v11;
	v15 =	vld [tilespmem:s22+$0x30];
	[tilespmem:v23+s14+$0x0] =	vst.idx.msk $0xffff, v13;
	v63 =	vadd.f32 v26, v4  }
0x177: {  	s23 =	simm.s32 $0xB;
	s20 =	simm.s32 $0xA680;
	v19 =	vadd.s32 v3, v19;
	v13 =	vand.u32 $0x7C, v24;
	v24 =	vadd.f32 v27, v6;
	[tilespmem:v25+s14+$0x0] =	vst.idx.msk $0xffff, v18;
	v18 =	vld [tilespmem:s22+$0xFFFFFFB0]  }
0x178: {  	v20 =	vadd.s32 v3, v20;
	v26 =	vmov s23;
	v23 =	vld [tilespmem:s20+$0x40];
	s22 =	simm.s32 $0xC;
	v25 =	vadd.f32 v30, v6;
	[tilespmem:v31+s14+$0x0] =	vst.idx.msk $0xffff, v63  }
.LBB2_11:
0x179: {  	p2 =	slt.u32 s22, $0x7C;
	s6 =	sadd.s32 $0x1, s21;
	v26 =	vand.u32 $0x7F, v26;
	[tilespmem:v22+s14+$0x0] =	vst.idx.msk $0xffff, v24;
	v17 =	vadd.f32 v17, v6;
	v22 =	vld [tilespmem:s19+$0x60];
	v24 =	vadd.s32 v3, v12  }
0x17a: {  	v30 =	vmovc v11;
	v27 =	vld [tilespmem:s20+$0xFFFFFF80];
	v28 =	vmov s6;
	s6 =	sadd.s32 $0x2, s21;
	v29 =	vadd.s32 v0, v26;
	[tilespmem:v21+s14+$0x0] =	vst.idx.msk $0xffff, v25;
	v16 =	vadd.f32 v16, v4;
	s21 =	smov.u32 s22  }
0x17b: {  	v12 =	vmovc v8;
	v21 =	vld [tilespmem:s20+$0xFFFFFFC0];
	v11 =	vmov s6;
	[tilespmem:v14+s14+$0x0] =	vst.idx.msk $0xffff, v17;
	v14 =	vadd.s32 v2, v7;
	v15 =	vadd.f32 v15, v4  }
0x17c: {  	v17 =	vadd.s32 v0, v13;
	v28 =	vand.u32 $0x7D, v28;
	v25 =	vld [tilespmem:s20+$0x0];
	v31 =	vadd.f32 v18, v4;
	[tilespmem:v19+s14+$0x0] =	vst.idx.msk $0xffff, v16  }
0x17d: {  	v16 =	vadd.s32 v0, v28;
	v11 =	vand.u32 $0x7E, v11;
	v18 =	vadd.f32 v23, v9;
	v19 =	vld [tilespmem:s19+$0xFFFFFFE0];
	[tilespmem:v20+s14+$0x0] =	vst.idx.msk $0xffff, v15  }
0x17e: {  	v8 =	vmov v13;
	v15 =	vadd.s32 v0, v11;
	v20 =	vld [tilespmem:s19+$0x20];
	v22 =	vadd.f32 v22, v5;
	[tilespmem:v24+s14+$0x0] =	vst.idx.msk $0xffff, v31  }
0x17f: {  	v23 =	vadd.s32 v2, v10;
	v13 =	vadd.f32 v27, v9;
	[tilespmem:v29+s14+$0x0] =	vst.idx.msk $0xffff, v18;
	v18 =	vld [tilespmem:s19+$0xFFFFFFA0]  }
0x180: {  	v27 =	vadd.s32 v2, v30;
	v21 =	vadd.f32 v21, v9;
	v24 =	vld [tilespmem:s20+$0x50];
	[tilespmem:v14+s14+$0x0] =	vst.idx.msk $0xffff, v22  }
0x181: {  	[tilespmem:v17+s14+$0x0] =	vst.idx.msk $0xffff, v13;
	v13 =	vadd.f32 v25, v9;
	v25 =	vadd.s32 v2, v12;
	v29 =	vld [tilespmem:s19+$0x70]  }
0x182: {  	v32 =	vadd.s32 v1, v26;
	v31 =	vld [tilespmem:s20+$0xFFFFFF90];
	[tilespmem:v16+s14+$0x0] =	vst.idx.msk $0xffff, v21;
	v14 =	vadd.f32 v19, v5  }
0x183: {  	v34 =	vadd.s32 v3, v7;
	v7 =	vmov v26;
	v33 =	vld [tilespmem:s20+$0xFFFFFFD0];
	[tilespmem:v15+s14+$0x0] =	vst.idx.msk $0xffff, v13;
	v13 =	vadd.f32 v20, v5  }
.Ltmp4:
0x184: {  	v22 =	vadd.s32 v1, v8;
	v17 =	vld [tilespmem:s20+$0x10];
	v15 =	vadd.f32 v18, v5;
	[tilespmem:v23+s14+$0x0] =	vst.idx.msk $0xffff, v14;
	(pc) =	sbr.rel @p2 .LBB2_11-.Ltmp4, $4  }
0x185: {  	v21 =	vadd.s32 v1, v28;
	v18 =	vadd.f32 v24, v6;
	v16 =	vld [tilespmem:s19+$0xFFFFFFF0];
	[tilespmem:v27+s14+$0x0] =	vst.idx.msk $0xffff, v13  }
0x186: {  	v14 =	vadd.s32 v1, v11;
	v13 =	vmov s22;
	[tilespmem:v25+s14+$0x0] =	vst.idx.msk $0xffff, v15;
	v15 =	vld [tilespmem:s19+$0x30];
	v27 =	vadd.f32 v29, v4  }
0x187: {  	s6 =	sadd.s32 $0x3, s22;
	v19 =	vadd.s32 v3, v10;
	v13 =	vand.u32 $0x7C, v13;
	v24 =	vadd.f32 v31, v6;
	[tilespmem:v32+s14+$0x0] =	vst.idx.msk $0xffff, v18;
	v18 =	vld [tilespmem:s19+$0xFFFFFFB0];
	s19 =	smov.u32 s20;
	s20 =	sadd.s32 $0x100, s20  }
0x188: {  	v26 =	vmov s6;
	v10 =	vmovc v28;
	v20 =	vadd.s32 v3, v30;
	s22 =	sadd.s32 $0x4, s22;
	v23 =	vld [tilespmem:s20+$0x40];
	v25 =	vadd.f32 v33, v6;
	[tilespmem:v34+s14+$0x0] =	vst.idx.msk $0xffff, v27  }
0x189: {  	s6 =	sadd.s32 $0x1, s21  }
0x18a: {  	v26 =	vand.u32 $0x7F, v26;
	s23 =	sadd.s32 $0x2, s21;
	v28 =	vld [tilespmem:s20+$0xFFFFFFC0];
	v27 =	vmov s6  }
0x18b: {  	v31 =	vld [tilespmem:s20+$0x0];
	v29 =	vadd.s32 v0, v26;
	v30 =	vmov s23;
	v27 =	vand.u32 $0x7D, v27  }
0x18c: {  	v32 =	vld [tilespmem:s20+$0xFFFFFF80];
	v30 =	vand.u32 $0x7E, v30;
	v33 =	vadd.s32 v0, v27  }
0x18d: {  	v34 =	vadd.s32 v0, v30  }
0x18e: {  	[tilespmem:v22+s14+$0x0] =	vst.idx.msk $0xffff, v24;
	v44 =	vadd.s32 v0, v13;
	v23 =	vadd.f32 v23, v9  }
0x18f: {  	[tilespmem:v21+s14+$0x0] =	vst.idx.msk $0xffff, v25;
	v45 =	vadd.f32 v28, v9  }
0x190: {  	v46 =	vadd.f32 v31, v9;
	[tilespmem:v29+s14+$0x0] =	vst.idx.msk $0xffff, v23  }
0x191: {  	v47 =	vadd.f32 v32, v9;
	v48 =	vld [tilespmem:s20+$0x50];
	[tilespmem:v33+s14+$0x0] =	vst.idx.msk $0xffff, v45  }
0x192: {  	v17 =	vadd.f32 v17, v6;
	v12 =	vadd.s32 v3, v12;
	[tilespmem:v34+s14+$0x0] =	vst.idx.msk $0xffff, v46;
	v21 =	vld [tilespmem:s20+$0xFFFFFFD0]  }
0x193: {  	v16 =	vadd.f32 v16, v4;
	v49 =	vadd.s32 v1, v26;
	[tilespmem:v44+s14+$0x0] =	vst.idx.msk $0xffff, v47;
	v50 =	vld [tilespmem:s20+$0x10]  }
0x194: {  	[tilespmem:v14+s14+$0x0] =	vst.idx.msk $0xffff, v17;
	v51 =	vadd.f32 v15, v4;
	v53 =	vadd.s32 v1, v27;
	v52 =	vld [tilespmem:s20+$0xFFFFFF90]  }
0x195: {  	v54 =	vld [tilespmem:s19+$0x60];
	v18 =	vadd.f32 v18, v4;
	[tilespmem:v19+s14+$0x0] =	vst.idx.msk $0xffff, v16;
	v55 =	vadd.s32 v1, v30  }
0x196: {  	v57 =	vadd.s32 v1, v13;
	v60 =	vld [tilespmem:s19+$0x20];
	[tilespmem:v20+s14+$0x0] =	vst.idx.msk $0xffff, v51;
	v58 =	vadd.f32 v48, v6  }
0x197: {  	v59 =	vadd.s32 v2, v7;
	v56 =	vld [tilespmem:s19+$0xFFFFFFE0];
	[tilespmem:v12+s14+$0x0] =	vst.idx.msk $0xffff, v18;
	v61 =	vadd.f32 v21, v6  }
0x198: {  	v62 =	vld [tilespmem:s19+$0xFFFFFFA0];
	v29 =	vadd.s32 v2, v11;
	[tilespmem:v49+s14+$0x0] =	vst.idx.msk $0xffff, v58;
	v28 =	vadd.f32 v50, v6  }
0x199: {  	v63 =	vadd.s32 v2, v10;
	v31 =	vadd.f32 v52, v6;
	v32 =	vld [tilespmem:s20+$0x60];
	[tilespmem:v53+s14+$0x0] =	vst.idx.msk $0xffff, v61  }
0x19a: {  	v33 =	vadd.f32 v54, v5;
	v34 =	vadd.s32 v2, v8;
	[tilespmem:v55+s14+$0x0] =	vst.idx.msk $0xffff, v28;
	v35 =	vld [tilespmem:s20+$0xFFFFFFE0]  }
0x19b: {  	v37 =	vadd.s32 v2, v26;
	v39 =	vadd.f32 v60, v5;
	[tilespmem:v57+s14+$0x0] =	vst.idx.msk $0xffff, v31;
	v38 =	vld [tilespmem:s20+$0x20]  }
0x19c: {  	v41 =	vadd.s32 v2, v27;
	v36 =	vadd.f32 v56, v5;
	[tilespmem:v59+s14+$0x0] =	vst.idx.msk $0xffff, v33;
	v40 =	vld [tilespmem:s20+$0xFFFFFFA0]  }
0x19d: {  	v43 =	vadd.s32 v2, v30;
	v18 =	vadd.f32 v62, v5;
	v42 =	vld [tilespmem:s19+$0x70];
	[tilespmem:v29+s14+$0x0] =	vst.idx.msk $0xffff, v39  }
0x19e: {  	v45 =	vadd.s32 v2, v13;
	[tilespmem:v63+s14+$0x0] =	vst.idx.msk $0xffff, v36;
	v47 =	vld [tilespmem:s19+$0x30];
	v44 =	vadd.f32 v32, v5  }
0x19f: {  	v46 =	vadd.s32 v3, v7;
	[tilespmem:v34+s14+$0x0] =	vst.idx.msk $0xffff, v18;
	v21 =	vld [tilespmem:s19+$0xFFFFFFF0];
	v9 =	vadd.f32 v35, v5  }
0x1a0: {  	v18 =	vld [tilespmem:s19+$0xFFFFFFB0];
	v50 =	vadd.s32 v3, v11;
	[tilespmem:v37+s14+$0x0] =	vst.idx.msk $0xffff, v44;
	v49 =	vadd.f32 v38, v5  }
0x1a1: {  	v48 =	vadd.s32 v3, v10;
	v5 =	vadd.f32 v40, v5;
	v12 =	vld [tilespmem:s20+$0x70];
	[tilespmem:v41+s14+$0x0] =	vst.idx.msk $0xffff, v9  }
0x1a2: {  	v52 =	vadd.s32 v3, v8;
	v51 =	vadd.f32 v42, v4;
	[tilespmem:v43+s14+$0x0] =	vst.idx.msk $0xffff, v49;
	v53 =	vld [tilespmem:s20+$0xFFFFFFF0]  }
0x1a3: {  	v55 =	vadd.s32 v3, v26;
	v56 =	vadd.f32 v47, v4;
	[tilespmem:v45+s14+$0x0] =	vst.idx.msk $0xffff, v5;
	v5 =	vld [tilespmem:s20+$0x30]  }
0x1a4: {  	v58 =	vadd.s32 v3, v27;
	[tilespmem:v46+s14+$0x0] =	vst.idx.msk $0xffff, v51;
	v54 =	vadd.f32 v21, v4;
	v57 =	vld [tilespmem:s20+$0xFFFFFFB0]  }
0x1a5: {  	v60 =	vadd.s32 v3, v30;
	v59 =	vadd.f32 v18, v4;
	[tilespmem:v50+s14+$0x0] =	vst.idx.msk $0xffff, v56  }
0x1a6: {  	v62 =	vadd.s32 v3, v13;
	[tilespmem:v48+s14+$0x0] =	vst.idx.msk $0xffff, v54;
	v61 =	vadd.f32 v12, v4  }
0x1a7: {  	[tilespmem:v52+s14+$0x0] =	vst.idx.msk $0xffff, v59;
	v63 =	vadd.f32 v53, v4  }
0x1a8: {  	[tilespmem:v55+s14+$0x0] =	vst.idx.msk $0xffff, v61;
	v5 =	vadd.f32 v5, v4  }
0x1a9: {  	v4 =	vadd.f32 v57, v4;
	[tilespmem:v58+s14+$0x0] =	vst.idx.msk $0xffff, v63  }
0x1aa: {  	[tilespmem:v60+s14+$0x0] =	vst.idx.msk $0xffff, v5  }
0x1ab: {  	s19 =	sadd.s32 s15, s11;
	s20 =	simm.s32 $0x12900;
	[tilespmem:v62+s14+$0x0] =	vst.idx.msk $0xffff, v4  }
0x1ac: {  	[hbm4b:s19+s3] =	stream.linear.scatter [tilespmem:s20], [sflag:$0xB], $0x80, $0x38;
	[tilespmem:$0x16D00] =	vst v63  }
0x1ad: {  	s21 =	simm.s32 $0x12988;
	s15 =	sadd.s32 $0x10, s19  }
0x1ae: {  	[hbm4b:s15+s3] =	stream.linear.scatter [tilespmem:s21], [sflag:$0xB], $0x80, $0x38;
	[tilespmem:$0x16D00] =	vst v63  }
0x1af: {  	s22 =	simm.s32 $0x12A10;
	s23 =	sadd.s32 $0x20, s19;
	s6 =	sadd.s32 $0x70, s19  }
0x1b0: {  	[hbm4b:s23+s3] =	stream.linear.scatter [tilespmem:s22], [sflag:$0xB], $0x80, $0x38;
	[tilespmem:$0x16D00] =	vst v63  }
0x1b1: {  	s20 =	simm.s32 $0x12A98;
	s21 =	sadd.s32 $0x30, s19;
	s15 =	simm.s32 $0x440  }
0x1b2: {  	[hbm4b:s21+s3] =	stream.linear.scatter [tilespmem:s20], [sflag:$0xB], $0x80, $0x38;
	[tilespmem:$0x16D00] =	vst v63  }
0x1b3: {  	s22 =	simm.s32 $0x12B20;
	s23 =	sadd.s32 $0x40, s19;
	s20 =	simm.s32 $0x12BA8  }
0x1b4: {  	[hbm4b:s23+s3] =	stream.linear.scatter [tilespmem:s22], [sflag:$0xB], $0x80, $0x38;
	[tilespmem:$0x16D00] =	vst v63  }
0x1b5: {  	s21 =	sadd.s32 $0x50, s19;
	s22 =	simm.s32 $0x12C30;
	s23 =	sadd.s32 $0x60, s19  }
0x1b6: {  	[hbm4b:s21+s3] =	stream.linear.scatter [tilespmem:s20], [sflag:$0xB], $0x80, $0x38;
	[tilespmem:$0x16D00] =	vst v63  }
0x1b7: {  	s19 =	sadd.s32 $0x1000, s19;
	s20 =	simm.s32 $0x2200;
	s21 =	simm.s32 $0x12CB8  }
0x1b8: {  	[hbm4b:s23+s3] =	stream.linear.scatter [tilespmem:s22], [sflag:$0xB], $0x80, $0x38;
	[tilespmem:$0x16D00] =	vst v63  }
.LBB2_13:
0x1b9: {  	[hbm4b:s6+s3] =	stream.linear.scatter [tilespmem:s21], [sflag:$0xB], $0x80, $0x38;
	[tilespmem:$0x16D00] =	vst v63  }
0x1ba: {  	s6 =	smov.u32 s15;
	s15 =	smov.u32 s20  }
0x1bb: {  	s22 =	sadd.s32 $0x1100, s20;
	s15 =	sshra.s32 s15, $0x2;
	s21 =	sadd.s32 $0x12900, s6  }
0x1bc: {  	[hbm4b:s19+s3] =	stream.linear.scatter [tilespmem:s21], [sflag:$0xB], $0x80, $0x38;
	[tilespmem:$0x16D00] =	vst v63  }
0x1bd: {  	p2 =	sne.s32 s20, $0x7700;
	s20 =	sadd.s32 $0x12988, s6;
	s21 =	sadd.s32 $0x10, s19  }
0x1be: {  	[hbm4b:s21+s3] =	stream.linear.scatter [tilespmem:s20], [sflag:$0xB], $0x80, $0x38;
	[tilespmem:$0x16D00] =	vst v63  }
0x1bf: {  	s20 =	sadd.s32 $0x12A10, s6;
	s21 =	sadd.s32 $0x20, s19  }
0x1c0: {  	[hbm4b:s21+s3] =	stream.linear.scatter [tilespmem:s20], [sflag:$0xB], $0x80, $0x38;
	[tilespmem:$0x16D00] =	vst v63  }
0x1c1: {  	s20 =	sadd.s32 $0x12A98, s6;
	s21 =	sadd.s32 $0x30, s19  }
0x1c2: {  	[hbm4b:s21+s3] =	stream.linear.scatter [tilespmem:s20], [sflag:$0xB], $0x80, $0x38;
	[tilespmem:$0x16D00] =	vst v63  }
0x1c3: {  	s20 =	sadd.s32 $0x12B20, s6;
	s21 =	sadd.s32 $0x40, s19  }
0x1c4: {  	[hbm4b:s21+s3] =	stream.linear.scatter [tilespmem:s20], [sflag:$0xB], $0x80, $0x38;
	[tilespmem:$0x16D00] =	vst v63  }
0x1c5: {  	s20 =	sadd.s32 $0x12BA8, s6;
	s21 =	sadd.s32 $0x50, s19  }
0x1c6: {  	[hbm4b:s21+s3] =	stream.linear.scatter [tilespmem:s20], [sflag:$0xB], $0x80, $0x38;
	[tilespmem:$0x16D00] =	vst v63  }
.Ltmp5:
0x1c7: {  	_ = 	snop;
	(pc) =	sbr.rel @p2 .LBB2_13-.Ltmp5, $4  }
0x1c8: {  	s20 =	sadd.s32 $0x12C30, s6;
	s21 =	sadd.s32 $0x60, s19  }
0x1c9: {  	[hbm4b:s21+s3] =	stream.linear.scatter [tilespmem:s20], [sflag:$0xB], $0x80, $0x38;
	[tilespmem:$0x16D00] =	vst v63  }
0x1ca: {  	s21 =	sadd.s32 $0x12CB8, s6  }
0x1cb: {  	s6 =	sadd.s32 $0x70, s19;
	s19 =	sadd.s32 $0x1000, s19;
	s20 =	smov.u32 s22  }
0x1cc: {  	[hbm4b:s6+s3] =	stream.linear.scatter [tilespmem:s21], [sflag:$0xB], $0x80, $0x38;
	[tilespmem:$0x16D00] =	vst v63  }
0x1cd: {  	s22 =	sadd.s32 $0x12900, s15  }
0x1ce: {  	[hbm4b:s19+s3] =	stream.linear.scatter [tilespmem:s22], [sflag:$0xB], $0x80, $0x38;
	[tilespmem:$0x16D00] =	vst v63  }
0x1cf: {  	s23 =	sadd.s32 $0x12988, s15;
	s20 =	sadd.s32 $0x10, s19  }
0x1d0: {  	[hbm4b:s20+s3] =	stream.linear.scatter [tilespmem:s23], [sflag:$0xB], $0x80, $0x38;
	[tilespmem:$0x16D00] =	vst v63  }
0x1d1: {  	s21 =	sadd.s32 $0x20, s19;
	s20 =	sadd.s32 $0x12A10, s15  }
0x1d2: {  	[hbm4b:s21+s3] =	stream.linear.scatter [tilespmem:s20], [sflag:$0xB], $0x80, $0x38;
	[tilespmem:$0x16D00] =	vst v63  }
0x1d3: {  	s22 =	sadd.s32 $0x12A98, s15;
	s23 =	sadd.s32 $0x30, s19  }
0x1d4: {  	[hbm4b:s23+s3] =	stream.linear.scatter [tilespmem:s22], [sflag:$0xB], $0x80, $0x38;
	[tilespmem:$0x16D00] =	vst v63  }
0x1d5: {  	s20 =	sadd.s32 $0x12B20, s15;
	s21 =	sadd.s32 $0x40, s19  }
0x1d6: {  	[hbm4b:s21+s3] =	stream.linear.scatter [tilespmem:s20], [sflag:$0xB], $0x80, $0x38;
	[tilespmem:$0x16D00] =	vst v63  }
0x1d7: {  	s6 =	sadd.s32 @!p1 $0x6, s12;
	s22 =	sadd.s32 $0x12BA8, s15;
	s23 =	sadd.s32 $0x50, s19  }
0x1d8: {  	[hbm4b:s23+s3] =	stream.linear.scatter [tilespmem:s22], [sflag:$0xB], $0x80, $0x38;
	[tilespmem:$0x16D00] =	vst v63  }
0x1d9: {  	s12 =	sshll.u32 @!p1 s6, $0x7;
	s20 =	sadd.s32 $0x12C30, s15;
	s21 =	sadd.s32 $0x60, s19  }
0x1da: {  	[hbm4b:s21+s3] =	stream.linear.scatter [tilespmem:s20], [sflag:$0xB], $0x80, $0x38;
	[tilespmem:$0x16D00] =	vst v63  }
0x1db: {  	s6 =	sshll.u32 @!p1 s6, $0x3;
	s22 =	sadd.s32 $0x12CB8, s15;
	s23 =	sadd.s32 $0x70, s19  }
0x1dc: {  	[hbm4b:s23+s3] =	stream.linear.scatter [tilespmem:s22], [sflag:$0xB], $0x80, $0x38;
	[tilespmem:$0x16D00] =	vst v63  }
0x1dd: {  	s12 =	sand.u32 @!p1 $0x3FFFFF80, s12;
	s15 =	simm.s32 @!p1 $0x80;
	s19 =	simm.s32 @!p1 $0xA400  }
0x1de: {  	[tilespmem:s19], [sflag:$0x3] =	stream.indirect.gather @!p1 [hbm4b:s5+s15], $0x40, s12, s15, $0xb8;
	[tilespmem:$0x16D00] =	vst v63  }
0x1df: {  	s6 =	sadd.s32 @!p1 s4, s6;
	s12 =	simm.s32 @!p1 $0x0;
	s15 =	simm.s32 @!p1 $0xE480  }
0x1e0: {  	[tilespmem:s15], [sflag:$0x7] =	stream.linear.gather @!p1 [hbm4b:s6+s12], $0x40, $0x38;
	[tilespmem:$0x16D00] =	vst v63  }
0x1e1: {  	_ =	swait.ge [sflag:s16], $0x2000  }
0x1e2: {  	[sflag:s16] =	ssyncset.done $0x0  }
0x1e3: {  	[sflag:s16] =	ssyncadd.s32 $0xFFFFE000  }
0x1e4: {  	_ =	swait.ge [sflag:s17], $0x40  }
0x1e5: {  	[sflag:s17] =	ssyncset.done $0x0  }
0x1e6: {  	s6 =	simm.s32 @!p0 $0xC;
	[sflag:s17] =	ssyncadd.s32 $0xFFFFFFC0  }
0x1e7: {  	_ =	swait.ge @!p0 [sflag:s6], $0x2000  }
0x1e8: {  	[sflag:s6] =	ssyncset.done @!p0 $0x0  }
0x1e9: {  	[sflag:s6] =	ssyncadd.s32 @!p0 $0xFFFFE000  }
0x1ea: {  	s20 =	simm.s32 $0xC480;
	s19 =	simm.s32 $0x3;
	v9 =	vld [tilespmem:$0xE4C0]  }
0x1eb: {  	v4 =	vmov s19;
	v7 =	vld [tilespmem:s20+$0x40]  }
0x1ec: {  	v13 =	vand.u32 $0x7F, v4  }
0x1ed: {  	s21 =	simm.s32 $0x0;
	v8 =	vadd.s32 v0, v13;
	v6 =	vld [tilespmem:$0xE4D0]  }
0x1ee: {  	s22 =	simm.s32 $0x1;
	s23 =	simm.s32 $0x2;
	v4 =	vmov s21;
	v10 =	vld [tilespmem:s20+$0xFFFFFF80]  }
0x1ef: {  	v14 =	vmov s23;
	v12 =	vand.u32 $0x7C, v4;
	v4 =	vmov s22;
	v11 =	vld [tilespmem:s20+$0xFFFFFFC0]  }
0x1f0: {  	v15 =	vadd.s32 v0, v12;
	v19 =	vand.u32 $0x7D, v4;
	v16 =	vld [tilespmem:s20+$0x0];
	v7 =	vadd.f32 v7, v9  }
0x1f1: {  	v20 =	vand.u32 $0x7E, v14;
	v17 =	vadd.s32 v0, v19;
	v5 =	vld [tilespmem:$0xE4E0]  }
0x1f2: {  	v14 =	vadd.s32 v0, v20;
	v4 =	vld [tilespmem:$0xE4F0];
	[tilespmem:v8+s18+$0x0] =	vst.idx.msk $0xffff, v7  }
0x1f3: {  	v7 =	vadd.f32 v10, v9;
	v8 =	vld [tilespmem:s20+$0x50]  }
0x1f4: {  	v10 =	vadd.f32 v11, v9  }
0x1f5: {  	v11 =	vadd.s32 v1, v13;
	[tilespmem:v15+s18+$0x0] =	vst.idx.msk $0xffff, v7;
	v7 =	vadd.f32 v16, v9  }
0x1f6: {  	[tilespmem:v17+s18+$0x0] =	vst.idx.msk $0xffff, v10;
	v15 =	vld [tilespmem:s20+$0xFFFFFF90]  }
0x1f7: {  	v10 =	vld [tilespmem:s20+$0xFFFFFFD0];
	[tilespmem:v14+s18+$0x0] =	vst.idx.msk $0xffff, v7  }
0x1f8: {  	v14 =	vld [tilespmem:s20+$0x10];
	v7 =	vadd.f32 v8, v6  }
0x1f9: {  	s19 =	simm.s32 $0x7;
	s12 =	simm.s32 $0xC580;
	v16 =	vadd.s32 v1, v19  }
0x1fa: {  	s15 =	simm.s32 $0x4;
	v26 =	vadd.s32 v2, v13;
	v18 =	vld [tilespmem:s12+$0x40];
	v17 =	vadd.s32 v1, v20;
	[tilespmem:v11+s18+$0x0] =	vst.idx.msk $0xffff, v7;
	v7 =	vmov s19  }
0x1fb: {  	v21 =	vadd.s32 v1, v12;
	v8 =	vmov s15;
	v7 =	vand.u32 $0x7F, v7;
	v22 =	vld [tilespmem:s20+$0x60]  }
0x1fc: {  	s21 =	simm.s32 $0x5;
	v23 =	vld [tilespmem:s12+$0xFFFFFF80];
	v8 =	vand.u32 $0x7C, v8;
	v10 =	vadd.f32 v10, v6;
	v24 =	vadd.s32 v0, v7  }
0x1fd: {  	s22 =	simm.s32 $0x6;
	v25 =	vld [tilespmem:s12+$0xFFFFFFC0];
	v15 =	vadd.f32 v15, v6;
	v11 =	vadd.f32 v14, v6;
	v14 =	vmov s21  }
0x1fe: {  	v27 =	vadd.s32 v0, v8;
	[tilespmem:v16+s18+$0x0] =	vst.idx.msk $0xffff, v10;
	v16 =	vmov s22;
	v10 =	vand.u32 $0x7D, v14;
	v14 =	vld [tilespmem:s12+$0x0]  }
0x1ff: {  	[tilespmem:v17+s18+$0x0] =	vst.idx.msk $0xffff, v11;
	v17 =	vadd.s32 v0, v10;
	v11 =	vand.u32 $0x7E, v16;
	v16 =	vadd.f32 v18, v9;
	v18 =	vld [tilespmem:s20+$0xFFFFFFE0]  }
0x200: {  	[tilespmem:v21+s18+$0x0] =	vst.idx.msk $0xffff, v15;
	v15 =	vadd.s32 v0, v11;
	v21 =	vld [tilespmem:s20+$0x20];
	v22 =	vadd.f32 v22, v5  }
0x201: {  	v23 =	vadd.f32 v23, v9;
	[tilespmem:v24+s18+$0x0] =	vst.idx.msk $0xffff, v16;
	v16 =	vld [tilespmem:s20+$0xFFFFFFA0];
	v24 =	vadd.s32 v2, v19  }
0x202: {  	v29 =	vadd.s32 v2, v20;
	v25 =	vadd.f32 v25, v9;
	v28 =	vld [tilespmem:s12+$0x50];
	[tilespmem:v26+s18+$0x0] =	vst.idx.msk $0xffff, v22  }
0x203: {  	[tilespmem:v27+s18+$0x0] =	vst.idx.msk $0xffff, v23;
	v23 =	vadd.s32 v2, v12;
	v14 =	vadd.f32 v14, v9;
	v26 =	vld [tilespmem:s20+$0x70]  }
0x204: {  	v27 =	vld [tilespmem:s12+$0xFFFFFF90];
	[tilespmem:v17+s18+$0x0] =	vst.idx.msk $0xffff, v25;
	v25 =	vadd.s32 v1, v7;
	v18 =	vadd.f32 v18, v5  }
0x205: {  	v31 =	vadd.s32 v3, v13;
	v30 =	vld [tilespmem:s12+$0xFFFFFFD0];
	[tilespmem:v15+s18+$0x0] =	vst.idx.msk $0xffff, v14;
	v14 =	vadd.f32 v21, v5  }
0x206: {  	v22 =	vadd.s32 v1, v8;
	v17 =	vld [tilespmem:s12+$0x10];
	v13 =	vadd.f32 v16, v5;
	[tilespmem:v24+s18+$0x0] =	vst.idx.msk $0xffff, v18  }
0x207: {  	s19 =	simm.s32 $0x8;
	v21 =	vadd.s32 v1, v10;
	[tilespmem:v29+s18+$0x0] =	vst.idx.msk $0xffff, v14;
	v18 =	vadd.f32 v28, v6;
	v16 =	vld [tilespmem:s20+$0xFFFFFFF0]  }
0x208: {  	v24 =	vmov s19;
	v14 =	vadd.s32 v1, v11;
	v15 =	vld [tilespmem:s20+$0x30];
	[tilespmem:v23+s18+$0x0] =	vst.idx.msk $0xffff, v13;
	v63 =	vadd.f32 v26, v4  }
0x209: {  	s23 =	simm.s32 $0xB;
	s15 =	simm.s32 $0xC680;
	v19 =	vadd.s32 v3, v19;
	v13 =	vand.u32 $0x7C, v24;
	v24 =	vadd.f32 v27, v6;
	[tilespmem:v25+s18+$0x0] =	vst.idx.msk $0xffff, v18;
	v18 =	vld [tilespmem:s20+$0xFFFFFFB0]  }
0x20a: {  	v20 =	vadd.s32 v3, v20;
	v26 =	vmov s23;
	v23 =	vld [tilespmem:s15+$0x40];
	s20 =	simm.s32 $0xC;
	v25 =	vadd.f32 v30, v6;
	[tilespmem:v31+s18+$0x0] =	vst.idx.msk $0xffff, v63  }
.LBB2_15:
0x20b: {  	p0 =	slt.u32 s20, $0x7C;
	s6 =	sadd.s32 $0x1, s19;
	v26 =	vand.u32 $0x7F, v26;
	[tilespmem:v22+s18+$0x0] =	vst.idx.msk $0xffff, v24;
	v17 =	vadd.f32 v17, v6;
	v22 =	vld [tilespmem:s12+$0x60];
	v24 =	vadd.s32 v3, v12  }
0x20c: {  	v30 =	vmovc v11;
	v27 =	vld [tilespmem:s15+$0xFFFFFF80];
	v28 =	vmov s6;
	s6 =	sadd.s32 $0x2, s19;
	v29 =	vadd.s32 v0, v26;
	[tilespmem:v21+s18+$0x0] =	vst.idx.msk $0xffff, v25;
	v16 =	vadd.f32 v16, v4;
	s19 =	smov.u32 s20  }
0x20d: {  	v12 =	vmovc v8;
	v21 =	vld [tilespmem:s15+$0xFFFFFFC0];
	v11 =	vmov s6;
	[tilespmem:v14+s18+$0x0] =	vst.idx.msk $0xffff, v17;
	v14 =	vadd.s32 v2, v7;
	v15 =	vadd.f32 v15, v4  }
0x20e: {  	v17 =	vadd.s32 v0, v13;
	v28 =	vand.u32 $0x7D, v28;
	v25 =	vld [tilespmem:s15+$0x0];
	v31 =	vadd.f32 v18, v4;
	[tilespmem:v19+s18+$0x0] =	vst.idx.msk $0xffff, v16  }
0x20f: {  	v16 =	vadd.s32 v0, v28;
	v11 =	vand.u32 $0x7E, v11;
	v18 =	vadd.f32 v23, v9;
	v19 =	vld [tilespmem:s12+$0xFFFFFFE0];
	[tilespmem:v20+s18+$0x0] =	vst.idx.msk $0xffff, v15  }
0x210: {  	v8 =	vmov v13;
	v15 =	vadd.s32 v0, v11;
	v20 =	vld [tilespmem:s12+$0x20];
	v22 =	vadd.f32 v22, v5;
	[tilespmem:v24+s18+$0x0] =	vst.idx.msk $0xffff, v31  }
0x211: {  	v23 =	vadd.s32 v2, v10;
	v13 =	vadd.f32 v27, v9;
	[tilespmem:v29+s18+$0x0] =	vst.idx.msk $0xffff, v18;
	v18 =	vld [tilespmem:s12+$0xFFFFFFA0]  }
0x212: {  	v27 =	vadd.s32 v2, v30;
	v21 =	vadd.f32 v21, v9;
	v24 =	vld [tilespmem:s15+$0x50];
	[tilespmem:v14+s18+$0x0] =	vst.idx.msk $0xffff, v22  }
0x213: {  	[tilespmem:v17+s18+$0x0] =	vst.idx.msk $0xffff, v13;
	v13 =	vadd.f32 v25, v9;
	v25 =	vadd.s32 v2, v12;
	v29 =	vld [tilespmem:s12+$0x70]  }
0x214: {  	v32 =	vadd.s32 v1, v26;
	v31 =	vld [tilespmem:s15+$0xFFFFFF90];
	[tilespmem:v16+s18+$0x0] =	vst.idx.msk $0xffff, v21;
	v14 =	vadd.f32 v19, v5  }
0x215: {  	v34 =	vadd.s32 v3, v7;
	v7 =	vmov v26;
	v33 =	vld [tilespmem:s15+$0xFFFFFFD0];
	[tilespmem:v15+s18+$0x0] =	vst.idx.msk $0xffff, v13;
	v13 =	vadd.f32 v20, v5  }
.Ltmp6:
0x216: {  	v22 =	vadd.s32 v1, v8;
	v17 =	vld [tilespmem:s15+$0x10];
	v15 =	vadd.f32 v18, v5;
	[tilespmem:v23+s18+$0x0] =	vst.idx.msk $0xffff, v14;
	(pc) =	sbr.rel @p0 .LBB2_15-.Ltmp6, $4  }
0x217: {  	v21 =	vadd.s32 v1, v28;
	v18 =	vadd.f32 v24, v6;
	v16 =	vld [tilespmem:s12+$0xFFFFFFF0];
	[tilespmem:v27+s18+$0x0] =	vst.idx.msk $0xffff, v13  }
0x218: {  	v14 =	vadd.s32 v1, v11;
	v13 =	vmov s20;
	[tilespmem:v25+s18+$0x0] =	vst.idx.msk $0xffff, v15;
	v15 =	vld [tilespmem:s12+$0x30];
	v27 =	vadd.f32 v29, v4  }
0x219: {  	s6 =	sadd.s32 $0x3, s20;
	v19 =	vadd.s32 v3, v10;
	v13 =	vand.u32 $0x7C, v13;
	v24 =	vadd.f32 v31, v6;
	[tilespmem:v32+s18+$0x0] =	vst.idx.msk $0xffff, v18;
	v18 =	vld [tilespmem:s12+$0xFFFFFFB0];
	s12 =	smov.u32 s15;
	s15 =	sadd.s32 $0x100, s15  }
0x21a: {  	v26 =	vmov s6;
	v10 =	vmovc v28;
	v20 =	vadd.s32 v3, v30;
	s20 =	sadd.s32 $0x4, s20;
	v23 =	vld [tilespmem:s15+$0x40];
	v25 =	vadd.f32 v33, v6;
	[tilespmem:v34+s18+$0x0] =	vst.idx.msk $0xffff, v27  }
0x21b: {  	s6 =	sadd.s32 $0x1, s19  }
0x21c: {  	v26 =	vand.u32 $0x7F, v26;
	s22 =	sadd.s32 $0x2, s19;
	v28 =	vld [tilespmem:s15+$0xFFFFFFC0];
	v27 =	vmov s6  }
0x21d: {  	v31 =	vld [tilespmem:s15+$0x0];
	v29 =	vadd.s32 v0, v26;
	v30 =	vmov s22;
	v27 =	vand.u32 $0x7D, v27  }
0x21e: {  	v32 =	vld [tilespmem:s15+$0xFFFFFF80];
	v30 =	vand.u32 $0x7E, v30;
	v33 =	vadd.s32 v0, v27  }
0x21f: {  	v34 =	vadd.s32 v0, v30  }
0x220: {  	[tilespmem:v22+s18+$0x0] =	vst.idx.msk $0xffff, v24;
	v44 =	vadd.s32 v0, v13;
	v23 =	vadd.f32 v23, v9  }
0x221: {  	[tilespmem:v21+s18+$0x0] =	vst.idx.msk $0xffff, v25;
	v45 =	vadd.f32 v28, v9  }
0x222: {  	v46 =	vadd.f32 v31, v9;
	[tilespmem:v29+s18+$0x0] =	vst.idx.msk $0xffff, v23  }
0x223: {  	v47 =	vadd.f32 v32, v9;
	v48 =	vld [tilespmem:s15+$0x50];
	[tilespmem:v33+s18+$0x0] =	vst.idx.msk $0xffff, v45  }
0x224: {  	v17 =	vadd.f32 v17, v6;
	v12 =	vadd.s32 v3, v12;
	[tilespmem:v34+s18+$0x0] =	vst.idx.msk $0xffff, v46;
	v21 =	vld [tilespmem:s15+$0xFFFFFFD0]  }
0x225: {  	v16 =	vadd.f32 v16, v4;
	v49 =	vadd.s32 v1, v26;
	[tilespmem:v44+s18+$0x0] =	vst.idx.msk $0xffff, v47;
	v50 =	vld [tilespmem:s15+$0x10]  }
0x226: {  	[tilespmem:v14+s18+$0x0] =	vst.idx.msk $0xffff, v17;
	v51 =	vadd.f32 v15, v4;
	v53 =	vadd.s32 v1, v27;
	v52 =	vld [tilespmem:s15+$0xFFFFFF90]  }
0x227: {  	v54 =	vld [tilespmem:s12+$0x60];
	v18 =	vadd.f32 v18, v4;
	[tilespmem:v19+s18+$0x0] =	vst.idx.msk $0xffff, v16;
	v55 =	vadd.s32 v1, v30  }
0x228: {  	v57 =	vadd.s32 v1, v13;
	v60 =	vld [tilespmem:s12+$0x20];
	[tilespmem:v20+s18+$0x0] =	vst.idx.msk $0xffff, v51;
	v58 =	vadd.f32 v48, v6  }
0x229: {  	v59 =	vadd.s32 v2, v7;
	v56 =	vld [tilespmem:s12+$0xFFFFFFE0];
	[tilespmem:v12+s18+$0x0] =	vst.idx.msk $0xffff, v18;
	v61 =	vadd.f32 v21, v6  }
0x22a: {  	v62 =	vld [tilespmem:s12+$0xFFFFFFA0];
	v29 =	vadd.s32 v2, v11;
	[tilespmem:v49+s18+$0x0] =	vst.idx.msk $0xffff, v58;
	v28 =	vadd.f32 v50, v6  }
0x22b: {  	v63 =	vadd.s32 v2, v10;
	v31 =	vadd.f32 v52, v6;
	v32 =	vld [tilespmem:s15+$0x60];
	[tilespmem:v53+s18+$0x0] =	vst.idx.msk $0xffff, v61  }
0x22c: {  	v33 =	vadd.f32 v54, v5;
	v34 =	vadd.s32 v2, v8;
	[tilespmem:v55+s18+$0x0] =	vst.idx.msk $0xffff, v28;
	v35 =	vld [tilespmem:s15+$0xFFFFFFE0]  }
0x22d: {  	v37 =	vadd.s32 v2, v26;
	v39 =	vadd.f32 v60, v5;
	[tilespmem:v57+s18+$0x0] =	vst.idx.msk $0xffff, v31;
	v38 =	vld [tilespmem:s15+$0x20]  }
0x22e: {  	v41 =	vadd.s32 v2, v27;
	v36 =	vadd.f32 v56, v5;
	[tilespmem:v59+s18+$0x0] =	vst.idx.msk $0xffff, v33;
	v40 =	vld [tilespmem:s15+$0xFFFFFFA0]  }
0x22f: {  	v43 =	vadd.s32 v2, v30;
	v18 =	vadd.f32 v62, v5;
	v42 =	vld [tilespmem:s12+$0x70];
	[tilespmem:v29+s18+$0x0] =	vst.idx.msk $0xffff, v39  }
0x230: {  	v45 =	vadd.s32 v2, v13;
	[tilespmem:v63+s18+$0x0] =	vst.idx.msk $0xffff, v36;
	v47 =	vld [tilespmem:s12+$0x30];
	v44 =	vadd.f32 v32, v5  }
0x231: {  	v46 =	vadd.s32 v3, v7;
	[tilespmem:v34+s18+$0x0] =	vst.idx.msk $0xffff, v18;
	v21 =	vld [tilespmem:s12+$0xFFFFFFF0];
	v9 =	vadd.f32 v35, v5  }
0x232: {  	v18 =	vld [tilespmem:s12+$0xFFFFFFB0];
	v50 =	vadd.s32 v3, v11;
	[tilespmem:v37+s18+$0x0] =	vst.idx.msk $0xffff, v44;
	v49 =	vadd.f32 v38, v5  }
0x233: {  	v48 =	vadd.s32 v3, v10;
	v5 =	vadd.f32 v40, v5;
	v12 =	vld [tilespmem:s15+$0x70];
	[tilespmem:v41+s18+$0x0] =	vst.idx.msk $0xffff, v9  }
0x234: {  	v52 =	vadd.s32 v3, v8;
	v51 =	vadd.f32 v42, v4;
	[tilespmem:v43+s18+$0x0] =	vst.idx.msk $0xffff, v49;
	v53 =	vld [tilespmem:s15+$0xFFFFFFF0]  }
0x235: {  	v55 =	vadd.s32 v3, v26;
	v56 =	vadd.f32 v47, v4;
	[tilespmem:v45+s18+$0x0] =	vst.idx.msk $0xffff, v5;
	v5 =	vld [tilespmem:s15+$0x30]  }
0x236: {  	v58 =	vadd.s32 v3, v27;
	[tilespmem:v46+s18+$0x0] =	vst.idx.msk $0xffff, v51;
	v54 =	vadd.f32 v21, v4;
	v57 =	vld [tilespmem:s15+$0xFFFFFFB0]  }
0x237: {  	v60 =	vadd.s32 v3, v30;
	v59 =	vadd.f32 v18, v4;
	[tilespmem:v50+s18+$0x0] =	vst.idx.msk $0xffff, v56  }
0x238: {  	v62 =	vadd.s32 v3, v13;
	[tilespmem:v48+s18+$0x0] =	vst.idx.msk $0xffff, v54;
	v61 =	vadd.f32 v12, v4  }
0x239: {  	[tilespmem:v52+s18+$0x0] =	vst.idx.msk $0xffff, v59;
	v63 =	vadd.f32 v53, v4  }
0x23a: {  	s23 =	sshll.u32 s8, $0x12;
	[tilespmem:v55+s18+$0x0] =	vst.idx.msk $0xffff, v61;
	v5 =	vadd.f32 v5, v4  }
0x23b: {  	s6 =	sor.u32 s9, s23;
	v4 =	vadd.f32 v57, v4;
	[tilespmem:v58+s18+$0x0] =	vst.idx.msk $0xffff, v63  }
0x23c: {  	s6 =	sshrl.u32 s6, $0x3;
	[tilespmem:v60+s18+$0x0] =	vst.idx.msk $0xffff, v5  }
0x23d: {  	s8 =	simm.s32 $0x14B00;
	s12 =	sadd.s32 s2, s6;
	[tilespmem:v62+s18+$0x0] =	vst.idx.msk $0xffff, v4  }
0x23e: {  	[hbm4b:s12+s3] =	stream.linear.scatter [tilespmem:s8], [sflag:$0xC], $0x80, $0x38;
	[tilespmem:$0x16D00] =	vst v63  }
0x23f: {  	s19 =	sadd.s32 $0x10, s12;
	s15 =	simm.s32 $0x14B88  }
0x240: {  	[hbm4b:s19+s3] =	stream.linear.scatter [tilespmem:s15], [sflag:$0xC], $0x80, $0x38;
	[tilespmem:$0x16D00] =	vst v63  }
0x241: {  	s20 =	simm.s32 $0x14C10;
	s22 =	simm.s32 $0x14C98;
	s21 =	sadd.s32 $0x20, s12  }
0x242: {  	[hbm4b:s21+s3] =	stream.linear.scatter [tilespmem:s20], [sflag:$0xC], $0x80, $0x38;
	[tilespmem:$0x16D00] =	vst v63  }
0x243: {  	s23 =	sadd.s32 $0x30, s12;
	s6 =	sadd.s32 $0x70, s12;
	s8 =	simm.s32 $0x440  }
0x244: {  	[hbm4b:s23+s3] =	stream.linear.scatter [tilespmem:s22], [sflag:$0xC], $0x80, $0x38;
	[tilespmem:$0x16D00] =	vst v63  }
0x245: {  	s15 =	simm.s32 $0x14D20;
	s19 =	sadd.s32 $0x40, s12;
	s20 =	simm.s32 $0x14DA8  }
0x246: {  	[hbm4b:s19+s3] =	stream.linear.scatter [tilespmem:s15], [sflag:$0xC], $0x80, $0x38;
	[tilespmem:$0x16D00] =	vst v63  }
0x247: {  	s21 =	sadd.s32 $0x50, s12;
	s22 =	simm.s32 $0x14E30;
	s23 =	sadd.s32 $0x60, s12  }
0x248: {  	[hbm4b:s21+s3] =	stream.linear.scatter [tilespmem:s20], [sflag:$0xC], $0x80, $0x38;
	[tilespmem:$0x16D00] =	vst v63  }
0x249: {  	s12 =	sadd.s32 $0x1000, s12;
	s15 =	simm.s32 $0x2200;
	s19 =	simm.s32 $0x14EB8  }
0x24a: {  	[hbm4b:s23+s3] =	stream.linear.scatter [tilespmem:s22], [sflag:$0xC], $0x80, $0x38;
	[tilespmem:$0x16D00] =	vst v63  }
.LBB2_17:
0x24b: {  	[hbm4b:s6+s3] =	stream.linear.scatter [tilespmem:s19], [sflag:$0xC], $0x80, $0x38;
	[tilespmem:$0x16D00] =	vst v63  }
0x24c: {  	s6 =	smov.u32 s8;
	s8 =	smov.u32 s15  }
0x24d: {  	s20 =	sadd.s32 $0x1100, s15;
	s8 =	sshra.s32 s8, $0x2;
	s19 =	sadd.s32 $0x14B00, s6  }
0x24e: {  	[hbm4b:s12+s3] =	stream.linear.scatter [tilespmem:s19], [sflag:$0xC], $0x80, $0x38;
	[tilespmem:$0x16D00] =	vst v63  }
0x24f: {  	p0 =	sne.s32 s15, $0x7700;
	s15 =	sadd.s32 $0x14B88, s6;
	s19 =	sadd.s32 $0x10, s12  }
0x250: {  	[hbm4b:s19+s3] =	stream.linear.scatter [tilespmem:s15], [sflag:$0xC], $0x80, $0x38;
	[tilespmem:$0x16D00] =	vst v63  }
0x251: {  	s15 =	sadd.s32 $0x14C10, s6;
	s19 =	sadd.s32 $0x20, s12  }
0x252: {  	[hbm4b:s19+s3] =	stream.linear.scatter [tilespmem:s15], [sflag:$0xC], $0x80, $0x38;
	[tilespmem:$0x16D00] =	vst v63  }
0x253: {  	s15 =	sadd.s32 $0x14C98, s6;
	s19 =	sadd.s32 $0x30, s12  }
0x254: {  	[hbm4b:s19+s3] =	stream.linear.scatter [tilespmem:s15], [sflag:$0xC], $0x80, $0x38;
	[tilespmem:$0x16D00] =	vst v63  }
0x255: {  	s15 =	sadd.s32 $0x14D20, s6;
	s19 =	sadd.s32 $0x40, s12  }
0x256: {  	[hbm4b:s19+s3] =	stream.linear.scatter [tilespmem:s15], [sflag:$0xC], $0x80, $0x38;
	[tilespmem:$0x16D00] =	vst v63  }
0x257: {  	s15 =	sadd.s32 $0x14DA8, s6;
	s19 =	sadd.s32 $0x50, s12  }
0x258: {  	[hbm4b:s19+s3] =	stream.linear.scatter [tilespmem:s15], [sflag:$0xC], $0x80, $0x38;
	[tilespmem:$0x16D00] =	vst v63  }
.Ltmp7:
0x259: {  	_ = 	snop;
	(pc) =	sbr.rel @p0 .LBB2_17-.Ltmp7, $4  }
0x25a: {  	s15 =	sadd.s32 $0x14E30, s6;
	s19 =	sadd.s32 $0x60, s12  }
0x25b: {  	[hbm4b:s19+s3] =	stream.linear.scatter [tilespmem:s15], [sflag:$0xC], $0x80, $0x38;
	[tilespmem:$0x16D00] =	vst v63  }
0x25c: {  	s19 =	sadd.s32 $0x14EB8, s6  }
0x25d: {  	s6 =	sadd.s32 $0x70, s12;
	s12 =	sadd.s32 $0x1000, s12;
	s15 =	smov.u32 s20  }
0x25e: {  	[hbm4b:s6+s3] =	stream.linear.scatter [tilespmem:s19], [sflag:$0xC], $0x80, $0x38;
	[tilespmem:$0x16D00] =	vst v63  }
0x25f: {  	s22 =	sadd.s32 $0x14B00, s8  }
0x260: {  	[hbm4b:s12+s3] =	stream.linear.scatter [tilespmem:s22], [sflag:$0xC], $0x80, $0x38;
	[tilespmem:$0x16D00] =	vst v63  }
0x261: {  	s23 =	sadd.s32 $0x14B88, s8;
	s15 =	sadd.s32 $0x10, s12  }
0x262: {  	[hbm4b:s15+s3] =	stream.linear.scatter [tilespmem:s23], [sflag:$0xC], $0x80, $0x38;
	[tilespmem:$0x16D00] =	vst v63  }
0x263: {  	s19 =	sadd.s32 $0x20, s12;
	s15 =	sadd.s32 $0x14C10, s8  }
0x264: {  	[hbm4b:s19+s3] =	stream.linear.scatter [tilespmem:s15], [sflag:$0xC], $0x80, $0x38;
	[tilespmem:$0x16D00] =	vst v63  }
0x265: {  	s20 =	sadd.s32 $0x14C98, s8;
	s21 =	sadd.s32 $0x30, s12  }
0x266: {  	[hbm4b:s21+s3] =	stream.linear.scatter [tilespmem:s20], [sflag:$0xC], $0x80, $0x38;
	[tilespmem:$0x16D00] =	vst v63  }
0x267: {  	s7 =	sadd.s32 $0x1, s7;
	s22 =	sadd.s32 $0x14D20, s8;
	s23 =	sadd.s32 $0x40, s12  }
0x268: {  	[hbm4b:s23+s3] =	stream.linear.scatter [tilespmem:s22], [sflag:$0xC], $0x80, $0x38;
	[tilespmem:$0x16D00] =	vst v63  }
0x269: {  	p0 =	sne.s32 s7, $0x32;
	s15 =	sadd.s32 $0x14DA8, s8;
	s19 =	sadd.s32 $0x50, s12  }
0x26a: {  	[hbm4b:s19+s3] =	stream.linear.scatter [tilespmem:s15], [sflag:$0xC], $0x80, $0x38;
	[tilespmem:$0x16D00] =	vst v63  }
.Ltmp8:
0x26b: {  	_ = 	snop;
	(pc) =	sbr.rel @p0 .LBB2_2-.Ltmp8, $4  }
0x26c: {  	s20 =	sadd.s32 $0x14E30, s8;
	s21 =	sadd.s32 $0x60, s12  }
0x26d: {  	[hbm4b:s21+s3] =	stream.linear.scatter [tilespmem:s20], [sflag:$0xC], $0x80, $0x38;
	[tilespmem:$0x16D00] =	vst v63  }
0x26e: {  	s22 =	sadd.s32 $0x14EB8, s8;
	s23 =	sadd.s32 $0x70, s12  }
0x26f: {  	[hbm4b:s23+s3] =	stream.linear.scatter [tilespmem:s22], [sflag:$0xC], $0x80, $0x38;
	[tilespmem:$0x16D00] =	vst v63  }
0x270: {  	s6 =	simm.s32 $0x9  }
0x271: {  	_ =	swait.ge [sflag:s6], $0x2000  }
0x272: {  	[sflag:s6] =	ssyncset.done $0x0  }
0x273: {  	s21 =	simm.s32 $0xA;
	[sflag:s6] =	ssyncadd.s32 $0xFFFFE000  }
0x274: {  	_ =	swait.ge [sflag:s21], $0x2000  }
0x275: {  	[sflag:s21] =	ssyncset.done $0x0  }
0x276: {  	s22 =	simm.s32 $0xB;
	[sflag:s21] =	ssyncadd.s32 $0xFFFFE000  }
0x277: {  	_ =	swait.ge [sflag:s22], $0x2000  }
0x278: {  	[sflag:s22] =	ssyncset.done $0x0  }
0x279: {  	s7 =	simm.s32 $0xC;
	[sflag:s22] =	ssyncadd.s32 $0xFFFFE000  }
0x27a: {  	_ =	swait.ge [sflag:s7], $0x2000  }
0x27b: {  	s8 =	rddreg [dreg:$0x7]  }
0x27c: {  	s23 =	rddreg [dreg:$0x6];
	s8 =	sadd.s32 $0x1, s8  }
0x27d: {  	p0 =	sne.s32 s8, s23  }
.Ltmp9:
0x27e: {  	_ = 	snop;
	(pc) =	sbr.rel @p0 .LBB2_1-.Ltmp9, $3  }
0x27f: {  	_ =	sdelay $0x1  }
0x280: {  	[sflag:s7] =	ssyncset.done $0x0  }
0x281: {  	[sflag:s7] =	ssyncadd.s32 $0xFFFFE000  }
0x282: {  	_ =	sfence.sel $0x180000  }
0x283: {  	[bflag:$0x0] =	sbarrier.arrive $0xFFFF  }
0x284: {  	_ =	strace $0x90000047  }
0x285: {  	s0 =	stileid.u32;
	[bflag:$0x2] =	sbarrier.arrive $0xFFFF  }
0x286: {  	p0 =	sne.s32 s0, $0x0;
	s0 =	rddreg [dreg:$0x2]  }
0x287: {  	s0 =	sadd.s32 @!p0 $0x100000, s0  }
0x288: {  	[sflag:s0] =	ssyncadd.tile.s32 @!p0 $0x1;
	_ =	shalt  }
.Lfunc_end2:
_tile_overlayer_lowered:
.L_overlay_start_2:
0x289: {  	(tag) =	ssettag $0x2  }
0x28a: {  	s0 =	rddreg [dreg:$0x0];
	s2 =	stileid.u32  }
0x28b: {  	s1 =	rddreg [dreg:$0x1];
	p0 =	sne.s32 s2, $0x0  }
0x28c: {  	s3 =	rddreg [dreg:$0x2];
	[bflag:$0x3] =	sbarrier.arrive $0xFFFF;
	s2 =	simm.s32 @!p0 $0x1C0D  }
0x28d: {  	[timem:s3], [sflag:s2] =	dma.local @!p0 [hbm:s0], s1  }
0x28e: {  	s0 =	simm.s32 @!p0 $0xD  }
0x28f: {  	_ =	swait.ge @!p0 [sflag:s0], s1  }
0x290: {  	s1 =	ssub.s32 @!p0 $0x0, s1;
	[sflag:s0] =	ssyncset.done @!p0 $0x0  }
0x291: {  	[sflag:s0] =	ssyncadd.s32 @!p0 s1  }
0x292: {  	[bflag:$0x3] =	sbarrier.arrive $0xFFFF  }
0x293: {  	_ =	shalt  }

</sc_bundles>
